<compile_context>
chip_gen: v7x
topology: tpu7x:2x2x1
jax: 0.10.2.dev20260603
libtpu: 0.0.44.dev20260713+nightly
codegen_flags: <defaults>
</compile_context>

<pallas_src>
import functools

import jax
import jax.numpy as jnp
from jax import lax
from jax.experimental import pallas as pl
from jax.experimental.pallas import tpu as pltpu
from jax.experimental.pallas import tpu_sc as plsc

B, L, D = 4096, 50, 64
LANES = 16
KD = D // LANES

try:
    _info = plsc.get_sparse_core_info()
    NC, NS = int(_info.num_cores), int(_info.num_subcores)
except Exception:
    NC, NS = 2, 16
NW = NC * NS
RPW = B // NW
CB = 2
E = CB * L
NCHUNK = RPW // CB

TB = 8192


def _relayout_body(last_j, last_half, vt_ref, w_ref):
    x = vt_ref[...]
    xt = x.T
    j = pl.program_id(0)
    half = TB // 2

    @pl.when(j != last_j)
    def _():
        w_ref[:, :D] = xt[:half]
        w_ref[:, D:] = xt[half:]

    @pl.when(j == last_j)
    def _():
        w_ref[:, :D] = xt[:half]
        w_ref[:, D:] = xt[last_half:last_half + half]


def _relayout(table, n_rows):
    n_full = n_rows // TB
    rem = n_rows - n_full * TB
    grid = n_full + (1 if rem else 0)
    out_rows = (n_rows + 1) // 2
    w = pl.pallas_call(
        functools.partial(_relayout_body, grid - 1 if rem else -1,
                          (rem // 2) if rem else (TB // 2)),
        grid=(grid,),
        in_specs=[pl.BlockSpec((D, TB), lambda j: (0, j))],
        out_specs=pl.BlockSpec((TB // 2, 128), lambda j: (j, 0)),
        out_shape=jax.ShapeDtypeStruct((out_rows, 128), jnp.float32),
    )(table.T)
    return w.reshape(n_rows if n_rows % 2 == 0 else n_rows + 1, D)[:n_rows]


def _slot_map(idx, n_rows):
    n_full = n_rows // TB
    split = n_full * TB
    rem = n_rows - split
    half = TB // 2
    rhalf = rem // 2
    main = (idx // TB) * TB + (idx % TB % half) * 2 + (idx % TB) // half
    if rem:
        ee = idx - split
        last = split + (ee % rhalf) * 2 + ee // rhalf
        return jnp.where(idx < split, main, last)
    return main


def _sc_body(r_h, e0_h, e1_h, v_h, t_h, out_h,
             idx_r, idx_0, idx_1,
             bR0, bR1, b00, b01, b10, b11,
             out_v, sem0, sem1):
    wid = lax.axis_index("s") * NC + lax.axis_index("c")

    pltpu.sync_copy(r_h.at[wid], idx_r)
    pltpu.sync_copy(e0_h.at[wid], idx_0)
    pltpu.sync_copy(e1_h.at[wid], idx_1)

    bufs = ((bR0, b00, b10, sem0), (bR1, b01, b11, sem1))

    def issue(c, slot):
        bR, b0, b1, sem = slot
        pltpu.async_copy(t_h.at[idx_r.at[c]], bR, sem)
        pltpu.async_copy(v_h.at[idx_0.at[c]], b0, sem)
        pltpu.async_copy(v_h.at[idx_1.at[c]], b1, sem)

    def drain(c, slot):
        bR, b0, b1, sem = slot
        pltpu.make_async_copy(t_h.at[idx_r.at[c]], bR, sem).wait()
        pltpu.make_async_copy(v_h.at[idx_0.at[c]], b0, sem).wait()
        pltpu.make_async_copy(v_h.at[idx_1.at[c]], b1, sem).wait()

    def compute(c, slot):
        bR, b0, b1, _ = slot
        zero = jnp.zeros((LANES,), jnp.float32)

        def jbody(j, accs):
            new = []
            for row in range(CB):
                base = row * L + j
                for k in range(KD):
                    sl = pl.ds(LANES * k, LANES)
                    new.append(accs[row * KD + k]
                               + bR[base, sl] * b0[base, sl] * b1[base, sl])
            return tuple(new)

        accs = lax.fori_loop(0, L, jbody, (zero,) * (CB * KD))
        for row in range(CB):
            for k in range(KD):
                out_v[c * CB + row, pl.ds(LANES * k, LANES)] = accs[row * KD + k]

    issue(0, bufs[0])
    issue(1, bufs[1])

    def outer(i, _):
        for b in range(2):
            c = i * 2 + b
            drain(c, bufs[b])
            compute(c, bufs[b])
            issue(c + 2, bufs[b])
        return 0

    lax.fori_loop(0, (NCHUNK - 2) // 2, outer, 0)
    for b in range(2):
        c = NCHUNK - 2 + b
        drain(c, bufs[b])
        compute(c, bufs[b])

    pltpu.sync_copy(out_v, out_h.at[pl.ds(wid * RPW, RPW)])


def kernel(r, e0, e1, V, R):
    n_ent, n_rel = V.shape[0], R.shape[0]
    v_lin = _relayout(V, n_ent)
    t_lin = _relayout(R, n_rel)

    mesh = plsc.VectorSubcoreMesh(core_axis_name="c", subcore_axis_name="s")
    kfn = pl.kernel(
        _sc_body,
        out_type=jax.ShapeDtypeStruct((B, D), jnp.float32),
        mesh=mesh,
        compiler_params=pltpu.CompilerParams(use_tc_tiling_on_sc=False),
        scratch_types=[
            pltpu.VMEM((NCHUNK, E), jnp.int32),
            pltpu.VMEM((NCHUNK, E), jnp.int32),
            pltpu.VMEM((NCHUNK, E), jnp.int32),
            pltpu.VMEM((E, D), jnp.float32),
            pltpu.VMEM((E, D), jnp.float32),
            pltpu.VMEM((E, D), jnp.float32),
            pltpu.VMEM((E, D), jnp.float32),
            pltpu.VMEM((E, D), jnp.float32),
            pltpu.VMEM((E, D), jnp.float32),
            pltpu.VMEM((RPW, D), jnp.float32),
            pltpu.SemaphoreType.DMA,
            pltpu.SemaphoreType.DMA,
        ],
    )
    r3 = _slot_map(r.astype(jnp.int32), n_rel).reshape(NW, NCHUNK, E)
    e03 = _slot_map(e0.astype(jnp.int32), n_ent).reshape(NW, NCHUNK, E)
    e13 = _slot_map(e1.astype(jnp.int32), n_ent).reshape(NW, NCHUNK, E)
    return kfn(r3, e03, e13, v_lin, t_lin)

# --- scband reference (transcript-rebuilt; emitter-appended) ---
"""Pipeline reference for scband-message-passing-89137751262037 (READ-ONLY COPY).

The authoritative reference and input builder live on the scoring server;
editing this copy changes nothing except your own understanding.
"""

import jax, jax.numpy as jnp
import numpy as np

B, L, D = 4096, 50, 64
N_ENT, N_REL = 1000000, 1000

def setup_inputs(seed: int = 0):
    key = jax.random.key(seed)
    k1, k2, k3, k4, k5 = jax.random.split(key, 5)
    r = jax.random.randint(k1, (B, L), 0, N_REL)
    e0 = jax.random.randint(k2, (B, L), 0, N_ENT)
    e1 = jax.random.randint(k3, (B, L), 0, N_ENT)
    # Learned embedding tables (xavier-like init, row 0 = ones as in torch init())
    V = jax.random.normal(k4, (N_ENT, D), dtype=jnp.float32) * 0.05
    R = jax.random.normal(k5, (N_REL, D), dtype=jnp.float32) * 0.05
    V = V.at[0].set(jnp.ones((D,), dtype=jnp.float32))
    R = R.at[0].set(jnp.ones((D,), dtype=jnp.float32))
    return {"r": r, "e0": e0, "e1": e1, "V": V, "R": R}

def reference(r, e0, e1, V, R):
    # x = R(r)
    x = jnp.take(R, r, axis=0)          # [B, L, D]
    # for i in range(len(e)): x = x * V(e_i)
    x = x * jnp.take(V, e0, axis=0)      # [B, L, D]
    x = x * jnp.take(V, e1, axis=0)      # [B, L, D]
    # dropout is identity in eval mode
    x = jnp.sum(x, axis=1)               # [B, D]
    return x

if __name__ == "__main__":
    import jax
    _d = setup_inputs()
    print(jax.jit(kernel)(*tuple(_d.values())))

</pallas_src>

<mosaic_0001>
#map = affine_map<(d0, d1) -> (0, 0, 0)>
#map1 = affine_map<(d0, d1) -> (0, 0)>
module attributes {stable_mosaic.version = 14 : i64} {
  func.func @_sc_body(%arg0: i32, %arg1: i32, %arg2: memref<32x64x100xi32, #tpu.memory_space<hbm>>, %arg3: memref<32x64x100xi32, #tpu.memory_space<hbm>>, %arg4: memref<32x64x100xi32, #tpu.memory_space<hbm>>, %arg5: memref<1000000x64xf32, #tpu.memory_space<hbm>>, %arg6: memref<1000x64xf32, #tpu.memory_space<hbm>>, %arg7: memref<4096x64xf32, #tpu.memory_space<hbm>>, %arg8: memref<64x100xi32, #tpu.memory_space<vmem>>, %arg9: memref<64x100xi32, #tpu.memory_space<vmem>>, %arg10: memref<64x100xi32, #tpu.memory_space<vmem>>, %arg11: memref<100x64xf32, #tpu.memory_space<vmem>>, %arg12: memref<100x64xf32, #tpu.memory_space<vmem>>, %arg13: memref<100x64xf32, #tpu.memory_space<vmem>>, %arg14: memref<100x64xf32, #tpu.memory_space<vmem>>, %arg15: memref<100x64xf32, #tpu.memory_space<vmem>>, %arg16: memref<100x64xf32, #tpu.memory_space<vmem>>, %arg17: memref<128x64xf32, #tpu.memory_space<vmem>>, %arg18: memref<!tpu.dma_semaphore, #tpu.memory_space<semaphore_mem>>, %arg19: memref<!tpu.dma_semaphore, #tpu.memory_space<semaphore_mem>>) attributes {dimension_semantics = [#tpu.dimension_semantics<core_parallel>, #tpu.dimension_semantics<subcore_parallel>], iteration_bounds = array<i64: 2, 16>, scalar_prefetch = 0 : i64, scratch_operands = 12 : i64, tpu.core_type = #tpu.core_type<sc_vector_subcore>, window_params = [{transform_indices = #map}, {transform_indices = #map}, {transform_indices = #map}, {transform_indices = #map1}, {transform_indices = #map1}, {transform_indices = #map1}]} {
    %mul3A = arith.constant 2 : i32
    %mul3A_0 = arith.muli %arg1, %mul3A : i32
    %add3A = arith.addi %mul3A_0, %arg0 : i32
    "tpu.region"() ({
      %run_scoped3A = tpu.sem_alloc : memref<!tpu.dma_semaphore, #tpu.memory_space<semaphore_mem>>
      %dma_start3A_201 = arith.constant 0 : i32
      %dma_start3A_202 = arith.constant 0 : i32
      %dma_start3A_203 = tpu.memref_slice %arg2[%add3A, %dma_start3A_201, %dma_start3A_202] : memref<32x64x100xi32, #tpu.memory_space<hbm>> -> memref<1x64x100xi32, #tpu.memory_space<hbm>>
      %dma_start3A_204 = tpu.memref_squeeze %dma_start3A_203 : memref<1x64x100xi32, #tpu.memory_space<hbm>> -> memref<64x100xi32, #tpu.memory_space<hbm>>
      %dma_start3A_205 = arith.constant 0 : i32
      %dma_start3A_206 = arith.constant 0 : i32
      %dma_start3A_207 = tpu.memref_slice %arg2[%add3A, %dma_start3A_205, %dma_start3A_206] : memref<32x64x100xi32, #tpu.memory_space<hbm>> -> memref<1x64x100xi32, #tpu.memory_space<hbm>>
      %dma_start3A_208 = tpu.memref_squeeze %dma_start3A_207 : memref<1x64x100xi32, #tpu.memory_space<hbm>> -> memref<64x100xi32, #tpu.memory_space<hbm>>
      tpu.enqueue_dma source(%dma_start3A_208 : memref<64x100xi32, #tpu.memory_space<hbm>>) target(%arg8 : memref<64x100xi32, #tpu.memory_space<vmem>>) target_semaphore(%run_scoped3A : memref<!tpu.dma_semaphore, #tpu.memory_space<semaphore_mem>>)
      %dma_wait3A_209 = arith.constant 0 : i32
      %dma_wait3A_210 = arith.constant 0 : i32
      %dma_wait3A_211 = tpu.memref_slice %arg2[%add3A, %dma_wait3A_209, %dma_wait3A_210] : memref<32x64x100xi32, #tpu.memory_space<hbm>> -> memref<1x64x100xi32, #tpu.memory_space<hbm>>
      %dma_wait3A_212 = tpu.memref_squeeze %dma_wait3A_211 : memref<1x64x100xi32, #tpu.memory_space<hbm>> -> memref<64x100xi32, #tpu.memory_space<hbm>>
      %dma_wait3A_213 = arith.constant 0 : i32
      %dma_wait3A_214 = arith.constant 0 : i32
      %dma_wait3A_215 = tpu.memref_slice %arg2[%add3A, %dma_wait3A_213, %dma_wait3A_214] : memref<32x64x100xi32, #tpu.memory_space<hbm>> -> memref<1x64x100xi32, #tpu.memory_space<hbm>>
      %dma_wait3A_216 = tpu.memref_squeeze %dma_wait3A_215 : memref<1x64x100xi32, #tpu.memory_space<hbm>> -> memref<64x100xi32, #tpu.memory_space<hbm>>
      tpu.wait_dma2 semaphore(%run_scoped3A : memref<!tpu.dma_semaphore, #tpu.memory_space<semaphore_mem>>) src(%dma_wait3A_216 : memref<64x100xi32, #tpu.memory_space<hbm>>) dst(%arg8 : memref<64x100xi32, #tpu.memory_space<vmem>>)
      tpu.yield
    }) : () -> ()
    "tpu.region"() ({
      %run_scoped3A = tpu.sem_alloc : memref<!tpu.dma_semaphore, #tpu.memory_space<semaphore_mem>>
      %dma_start3A_201 = arith.constant 0 : i32
      %dma_start3A_202 = arith.constant 0 : i32
      %dma_start3A_203 = tpu.memref_slice %arg3[%add3A, %dma_start3A_201, %dma_start3A_202] : memref<32x64x100xi32, #tpu.memory_space<hbm>> -> memref<1x64x100xi32, #tpu.memory_space<hbm>>
      %dma_start3A_204 = tpu.memref_squeeze %dma_start3A_203 : memref<1x64x100xi32, #tpu.memory_space<hbm>> -> memref<64x100xi32, #tpu.memory_space<hbm>>
      %dma_start3A_205 = arith.constant 0 : i32
      %dma_start3A_206 = arith.constant 0 : i32
      %dma_start3A_207 = tpu.memref_slice %arg3[%add3A, %dma_start3A_205, %dma_start3A_206] : memref<32x64x100xi32, #tpu.memory_space<hbm>> -> memref<1x64x100xi32, #tpu.memory_space<hbm>>
      %dma_start3A_208 = tpu.memref_squeeze %dma_start3A_207 : memref<1x64x100xi32, #tpu.memory_space<hbm>> -> memref<64x100xi32, #tpu.memory_space<hbm>>
      tpu.enqueue_dma source(%dma_start3A_208 : memref<64x100xi32, #tpu.memory_space<hbm>>) target(%arg9 : memref<64x100xi32, #tpu.memory_space<vmem>>) target_semaphore(%run_scoped3A : memref<!tpu.dma_semaphore, #tpu.memory_space<semaphore_mem>>)
      %dma_wait3A_209 = arith.constant 0 : i32
      %dma_wait3A_210 = arith.constant 0 : i32
      %dma_wait3A_211 = tpu.memref_slice %arg3[%add3A, %dma_wait3A_209, %dma_wait3A_210] : memref<32x64x100xi32, #tpu.memory_space<hbm>> -> memref<1x64x100xi32, #tpu.memory_space<hbm>>
      %dma_wait3A_212 = tpu.memref_squeeze %dma_wait3A_211 : memref<1x64x100xi32, #tpu.memory_space<hbm>> -> memref<64x100xi32, #tpu.memory_space<hbm>>
      %dma_wait3A_213 = arith.constant 0 : i32
      %dma_wait3A_214 = arith.constant 0 : i32
      %dma_wait3A_215 = tpu.memref_slice %arg3[%add3A, %dma_wait3A_213, %dma_wait3A_214] : memref<32x64x100xi32, #tpu.memory_space<hbm>> -> memref<1x64x100xi32, #tpu.memory_space<hbm>>
      %dma_wait3A_216 = tpu.memref_squeeze %dma_wait3A_215 : memref<1x64x100xi32, #tpu.memory_space<hbm>> -> memref<64x100xi32, #tpu.memory_space<hbm>>
      tpu.wait_dma2 semaphore(%run_scoped3A : memref<!tpu.dma_semaphore, #tpu.memory_space<semaphore_mem>>) src(%dma_wait3A_216 : memref<64x100xi32, #tpu.memory_space<hbm>>) dst(%arg9 : memref<64x100xi32, #tpu.memory_space<vmem>>)
      tpu.yield
    }) : () -> ()
    "tpu.region"() ({
      %run_scoped3A = tpu.sem_alloc : memref<!tpu.dma_semaphore, #tpu.memory_space<semaphore_mem>>
      %dma_start3A_201 = arith.constant 0 : i32
      %dma_start3A_202 = arith.constant 0 : i32
      %dma_start3A_203 = tpu.memref_slice %arg4[%add3A, %dma_start3A_201, %dma_start3A_202] : memref<32x64x100xi32, #tpu.memory_space<hbm>> -> memref<1x64x100xi32, #tpu.memory_space<hbm>>
      %dma_start3A_204 = tpu.memref_squeeze %dma_start3A_203 : memref<1x64x100xi32, #tpu.memory_space<hbm>> -> memref<64x100xi32, #tpu.memory_space<hbm>>
      %dma_start3A_205 = arith.constant 0 : i32
      %dma_start3A_206 = arith.constant 0 : i32
      %dma_start3A_207 = tpu.memref_slice %arg4[%add3A, %dma_start3A_205, %dma_start3A_206] : memref<32x64x100xi32, #tpu.memory_space<hbm>> -> memref<1x64x100xi32, #tpu.memory_space<hbm>>
      %dma_start3A_208 = tpu.memref_squeeze %dma_start3A_207 : memref<1x64x100xi32, #tpu.memory_space<hbm>> -> memref<64x100xi32, #tpu.memory_space<hbm>>
      tpu.enqueue_dma source(%dma_start3A_208 : memref<64x100xi32, #tpu.memory_space<hbm>>) target(%arg10 : memref<64x100xi32, #tpu.memory_space<vmem>>) target_semaphore(%run_scoped3A : memref<!tpu.dma_semaphore, #tpu.memory_space<semaphore_mem>>)
      %dma_wait3A_209 = arith.constant 0 : i32
      %dma_wait3A_210 = arith.constant 0 : i32
      %dma_wait3A_211 = tpu.memref_slice %arg4[%add3A, %dma_wait3A_209, %dma_wait3A_210] : memref<32x64x100xi32, #tpu.memory_space<hbm>> -> memref<1x64x100xi32, #tpu.memory_space<hbm>>
      %dma_wait3A_212 = tpu.memref_squeeze %dma_wait3A_211 : memref<1x64x100xi32, #tpu.memory_space<hbm>> -> memref<64x100xi32, #tpu.memory_space<hbm>>
      %dma_wait3A_213 = arith.constant 0 : i32
      %dma_wait3A_214 = arith.constant 0 : i32
      %dma_wait3A_215 = tpu.memref_slice %arg4[%add3A, %dma_wait3A_213, %dma_wait3A_214] : memref<32x64x100xi32, #tpu.memory_space<hbm>> -> memref<1x64x100xi32, #tpu.memory_space<hbm>>
      %dma_wait3A_216 = tpu.memref_squeeze %dma_wait3A_215 : memref<1x64x100xi32, #tpu.memory_space<hbm>> -> memref<64x100xi32, #tpu.memory_space<hbm>>
      tpu.wait_dma2 semaphore(%run_scoped3A : memref<!tpu.dma_semaphore, #tpu.memory_space<semaphore_mem>>) src(%dma_wait3A_216 : memref<64x100xi32, #tpu.memory_space<hbm>>) dst(%arg10 : memref<64x100xi32, #tpu.memory_space<vmem>>)
      tpu.yield
    }) : () -> ()
    %dma_start3A = arith.constant 0 : i32
    %dma_start3A_1 = arith.constant 0 : i32
    %dma_start3A_2 = tpu.memref_slice %arg8[%dma_start3A, %dma_start3A_1] : memref<64x100xi32, #tpu.memory_space<vmem>> -> memref<1x100xi32, #tpu.memory_space<vmem>>
    %dma_start3A_3 = tpu.memref_squeeze %dma_start3A_2 : memref<1x100xi32, #tpu.memory_space<vmem>> -> memref<100xi32, #tpu.memory_space<vmem>>
    %dma_start3A_4 = arith.constant 0 : i32
    %dma_start3A_5 = arith.constant 0 : i32
    %dma_start3A_6 = tpu.memref_slice %arg6[%dma_start3A_4, %dma_start3A_5] : memref<1000x64xf32, #tpu.memory_space<hbm>> -> memref<1000x64xf32, #tpu.memory_space<hbm>>
    tpu.enqueue_indirect_dma source(%dma_start3A_6 : memref<1000x64xf32, #tpu.memory_space<hbm>>) target(%arg11 : memref<100x64xf32, #tpu.memory_space<vmem>>) offsets(%dma_start3A_3 : memref<100xi32, #tpu.memory_space<vmem>>) semaphore(%arg18 : memref<!tpu.dma_semaphore, #tpu.memory_space<semaphore_mem>>)
    %dma_start3A_7 = arith.constant 0 : i32
    %dma_start3A_8 = arith.constant 0 : i32
    %dma_start3A_9 = tpu.memref_slice %arg9[%dma_start3A_7, %dma_start3A_8] : memref<64x100xi32, #tpu.memory_space<vmem>> -> memref<1x100xi32, #tpu.memory_space<vmem>>
    %dma_start3A_10 = tpu.memref_squeeze %dma_start3A_9 : memref<1x100xi32, #tpu.memory_space<vmem>> -> memref<100xi32, #tpu.memory_space<vmem>>
    %dma_start3A_11 = arith.constant 0 : i32
    %dma_start3A_12 = arith.constant 0 : i32
    %dma_start3A_13 = tpu.memref_slice %arg5[%dma_start3A_11, %dma_start3A_12] : memref<1000000x64xf32, #tpu.memory_space<hbm>> -> memref<1000000x64xf32, #tpu.memory_space<hbm>>
    tpu.enqueue_indirect_dma source(%dma_start3A_13 : memref<1000000x64xf32, #tpu.memory_space<hbm>>) target(%arg13 : memref<100x64xf32, #tpu.memory_space<vmem>>) offsets(%dma_start3A_10 : memref<100xi32, #tpu.memory_space<vmem>>) semaphore(%arg18 : memref<!tpu.dma_semaphore, #tpu.memory_space<semaphore_mem>>)
    %dma_start3A_14 = arith.constant 0 : i32
    %dma_start3A_15 = arith.constant 0 : i32
    %dma_start3A_16 = tpu.memref_slice %arg10[%dma_start3A_14, %dma_start3A_15] : memref<64x100xi32, #tpu.memory_space<vmem>> -> memref<1x100xi32, #tpu.memory_space<vmem>>
    %dma_start3A_17 = tpu.memref_squeeze %dma_start3A_16 : memref<1x100xi32, #tpu.memory_space<vmem>> -> memref<100xi32, #tpu.memory_space<vmem>>
    %dma_start3A_18 = arith.constant 0 : i32
    %dma_start3A_19 = arith.constant 0 : i32
    %dma_start3A_20 = tpu.memref_slice %arg5[%dma_start3A_18, %dma_start3A_19] : memref<1000000x64xf32, #tpu.memory_space<hbm>> -> memref<1000000x64xf32, #tpu.memory_space<hbm>>
    tpu.enqueue_indirect_dma source(%dma_start3A_20 : memref<1000000x64xf32, #tpu.memory_space<hbm>>) target(%arg15 : memref<100x64xf32, #tpu.memory_space<vmem>>) offsets(%dma_start3A_17 : memref<100xi32, #tpu.memory_space<vmem>>) semaphore(%arg18 : memref<!tpu.dma_semaphore, #tpu.memory_space<semaphore_mem>>)
    %dma_start3A_21 = arith.constant 1 : i32
    %dma_start3A_22 = arith.constant 0 : i32
    %dma_start3A_23 = tpu.memref_slice %arg8[%dma_start3A_21, %dma_start3A_22] : memref<64x100xi32, #tpu.memory_space<vmem>> -> memref<1x100xi32, #tpu.memory_space<vmem>>
    %dma_start3A_24 = tpu.memref_squeeze %dma_start3A_23 : memref<1x100xi32, #tpu.memory_space<vmem>> -> memref<100xi32, #tpu.memory_space<vmem>>
    %dma_start3A_25 = arith.constant 0 : i32
    %dma_start3A_26 = arith.constant 0 : i32
    %dma_start3A_27 = tpu.memref_slice %arg6[%dma_start3A_25, %dma_start3A_26] : memref<1000x64xf32, #tpu.memory_space<hbm>> -> memref<1000x64xf32, #tpu.memory_space<hbm>>
    tpu.enqueue_indirect_dma source(%dma_start3A_27 : memref<1000x64xf32, #tpu.memory_space<hbm>>) target(%arg12 : memref<100x64xf32, #tpu.memory_space<vmem>>) offsets(%dma_start3A_24 : memref<100xi32, #tpu.memory_space<vmem>>) semaphore(%arg19 : memref<!tpu.dma_semaphore, #tpu.memory_space<semaphore_mem>>)
    %dma_start3A_28 = arith.constant 1 : i32
    %dma_start3A_29 = arith.constant 0 : i32
    %dma_start3A_30 = tpu.memref_slice %arg9[%dma_start3A_28, %dma_start3A_29] : memref<64x100xi32, #tpu.memory_space<vmem>> -> memref<1x100xi32, #tpu.memory_space<vmem>>
    %dma_start3A_31 = tpu.memref_squeeze %dma_start3A_30 : memref<1x100xi32, #tpu.memory_space<vmem>> -> memref<100xi32, #tpu.memory_space<vmem>>
    %dma_start3A_32 = arith.constant 0 : i32
    %dma_start3A_33 = arith.constant 0 : i32
    %dma_start3A_34 = tpu.memref_slice %arg5[%dma_start3A_32, %dma_start3A_33] : memref<1000000x64xf32, #tpu.memory_space<hbm>> -> memref<1000000x64xf32, #tpu.memory_space<hbm>>
    tpu.enqueue_indirect_dma source(%dma_start3A_34 : memref<1000000x64xf32, #tpu.memory_space<hbm>>) target(%arg14 : memref<100x64xf32, #tpu.memory_space<vmem>>) offsets(%dma_start3A_31 : memref<100xi32, #tpu.memory_space<vmem>>) semaphore(%arg19 : memref<!tpu.dma_semaphore, #tpu.memory_space<semaphore_mem>>)
    %dma_start3A_35 = arith.constant 1 : i32
    %dma_start3A_36 = arith.constant 0 : i32
    %dma_start3A_37 = tpu.memref_slice %arg10[%dma_start3A_35, %dma_start3A_36] : memref<64x100xi32, #tpu.memory_space<vmem>> -> memref<1x100xi32, #tpu.memory_space<vmem>>
    %dma_start3A_38 = tpu.memref_squeeze %dma_start3A_37 : memref<1x100xi32, #tpu.memory_space<vmem>> -> memref<100xi32, #tpu.memory_space<vmem>>
    %dma_start3A_39 = arith.constant 0 : i32
    %dma_start3A_40 = arith.constant 0 : i32
    %dma_start3A_41 = tpu.memref_slice %arg5[%dma_start3A_39, %dma_start3A_40] : memref<1000000x64xf32, #tpu.memory_space<hbm>> -> memref<1000000x64xf32, #tpu.memory_space<hbm>>
    tpu.enqueue_indirect_dma source(%dma_start3A_41 : memref<1000000x64xf32, #tpu.memory_space<hbm>>) target(%arg16 : memref<100x64xf32, #tpu.memory_space<vmem>>) offsets(%dma_start3A_38 : memref<100xi32, #tpu.memory_space<vmem>>) semaphore(%arg19 : memref<!tpu.dma_semaphore, #tpu.memory_space<semaphore_mem>>)
    %scan3A = arith.constant 0 : i32
    %scan3A_42 = arith.constant 0 : i32
    %scan3A_43 = arith.constant 31 : i32
    %scan3A_44 = arith.addi %scan3A_42, %scan3A_43 : i32
    %scan3A_45 = arith.constant 1 : i32
    %scan3A_46 = scf.for %scan3A_201 = %scan3A_42 to %scan3A_44 step %scan3A_45 iter_args(%scan3A_202 = %scan3A) -> (i32)  : i32 {
      %mul3A_203 = arith.constant 2 : i32
      %mul3A_204 = arith.muli %scan3A_201, %mul3A_203 : i32
      %add3A_205 = arith.constant 0 : i32
      %add3A_206 = arith.addi %mul3A_204, %add3A_205 : i32
      %dma_wait3A_207 = arith.constant 0 : i32
      %dma_wait3A_208 = tpu.memref_slice %arg8[%add3A_206, %dma_wait3A_207] : memref<64x100xi32, #tpu.memory_space<vmem>> -> memref<1x100xi32, #tpu.memory_space<vmem>>
      %dma_wait3A_209 = tpu.memref_squeeze %dma_wait3A_208 : memref<1x100xi32, #tpu.memory_space<vmem>> -> memref<100xi32, #tpu.memory_space<vmem>>
      %dma_wait3A_210 = arith.constant 0 : i32
      %dma_wait3A_211 = arith.constant 0 : i32
      %dma_wait3A_212 = tpu.memref_slice %arg6[%dma_wait3A_210, %dma_wait3A_211] : memref<1000x64xf32, #tpu.memory_space<hbm>> -> memref<1000x64xf32, #tpu.memory_space<hbm>>
      tpu.wait_indirect_dma semaphore(%arg18 : memref<!tpu.dma_semaphore, #tpu.memory_space<semaphore_mem>>) src(%dma_wait3A_212 : memref<1000x64xf32, #tpu.memory_space<hbm>>) dst(%arg11 : memref<100x64xf32, #tpu.memory_space<vmem>>)
      %dma_wait3A_213 = arith.constant 0 : i32
      %dma_wait3A_214 = tpu.memref_slice %arg9[%add3A_206, %dma_wait3A_213] : memref<64x100xi32, #tpu.memory_space<vmem>> -> memref<1x100xi32, #tpu.memory_space<vmem>>
      %dma_wait3A_215 = tpu.memref_squeeze %dma_wait3A_214 : memref<1x100xi32, #tpu.memory_space<vmem>> -> memref<100xi32, #tpu.memory_space<vmem>>
      %dma_wait3A_216 = arith.constant 0 : i32
      %dma_wait3A_217 = arith.constant 0 : i32
      %dma_wait3A_218 = tpu.memref_slice %arg5[%dma_wait3A_216, %dma_wait3A_217] : memref<1000000x64xf32, #tpu.memory_space<hbm>> -> memref<1000000x64xf32, #tpu.memory_space<hbm>>
      tpu.wait_indirect_dma semaphore(%arg18 : memref<!tpu.dma_semaphore, #tpu.memory_space<semaphore_mem>>) src(%dma_wait3A_218 : memref<1000000x64xf32, #tpu.memory_space<hbm>>) dst(%arg13 : memref<100x64xf32, #tpu.memory_space<vmem>>)
      %dma_wait3A_219 = arith.constant 0 : i32
      %dma_wait3A_220 = tpu.memref_slice %arg10[%add3A_206, %dma_wait3A_219] : memref<64x100xi32, #tpu.memory_space<vmem>> -> memref<1x100xi32, #tpu.memory_space<vmem>>
      %dma_wait3A_221 = tpu.memref_squeeze %dma_wait3A_220 : memref<1x100xi32, #tpu.memory_space<vmem>> -> memref<100xi32, #tpu.memory_space<vmem>>
      %dma_wait3A_222 = arith.constant 0 : i32
      %dma_wait3A_223 = arith.constant 0 : i32
      %dma_wait3A_224 = tpu.memref_slice %arg5[%dma_wait3A_222, %dma_wait3A_223] : memref<1000000x64xf32, #tpu.memory_space<hbm>> -> memref<1000000x64xf32, #tpu.memory_space<hbm>>
      tpu.wait_indirect_dma semaphore(%arg18 : memref<!tpu.dma_semaphore, #tpu.memory_space<semaphore_mem>>) src(%dma_wait3A_224 : memref<1000000x64xf32, #tpu.memory_space<hbm>>) dst(%arg15 : memref<100x64xf32, #tpu.memory_space<vmem>>)
      %broadcast_in_dim3A_225 = arith.constant 0.000000e+00 : f32
      %broadcast_in_dim3A_226 = vector.broadcast %broadcast_in_dim3A_225 : f32 to vector<16xf32>
      %scan3A_227 = arith.constant 0 : i32
      %scan3A_228 = arith.constant 50 : i32
      %scan3A_229 = arith.addi %scan3A_227, %scan3A_228 : i32
      %scan3A_230 = arith.constant 1 : i32
      %scan3A_231:8 = scf.for %scan3A_448 = %scan3A_227 to %scan3A_229 step %scan3A_230 iter_args(%scan3A_449 = %broadcast_in_dim3A_226, %scan3A_450 = %broadcast_in_dim3A_226, %scan3A_451 = %broadcast_in_dim3A_226, %scan3A_452 = %broadcast_in_dim3A_226, %scan3A_453 = %broadcast_in_dim3A_226, %scan3A_454 = %broadcast_in_dim3A_226, %scan3A_455 = %broadcast_in_dim3A_226, %scan3A_456 = %broadcast_in_dim3A_226) -> (vector<16xf32>, vector<16xf32>, vector<16xf32>, vector<16xf32>, vector<16xf32>, vector<16xf32>, vector<16xf32>, vector<16xf32>)  : i32 {
        %add3A_457 = arith.constant 0 : i32
        %add3A_458 = arith.addi %add3A_457, %scan3A_448 : i32
        %get3A = arith.index_cast %add3A_458 : i32 to index
        %get3A_459 = arith.constant 0 : index
        %get3A_460 = tpu.vector_load %arg11[%get3A, %get3A_459] {strides = array<i32>} : memref<100x64xf32, #tpu.memory_space<vmem>>, vector<1x16xf32>,
        %get3A_461 = vector.shape_cast %get3A_460 : vector<1x16xf32> to vector<16xf32>
        %get3A_462 = arith.index_cast %add3A_458 : i32 to index
        %get3A_463 = arith.constant 0 : index
        %get3A_464 = tpu.vector_load %arg13[%get3A_462, %get3A_463] {strides = array<i32>} : memref<100x64xf32, #tpu.memory_space<vmem>>, vector<1x16xf32>,
        %get3A_465 = vector.shape_cast %get3A_464 : vector<1x16xf32> to vector<16xf32>
        %mul3A_466 = arith.mulf %get3A_461, %get3A_465 : vector<16xf32>
        %get3A_467 = arith.index_cast %add3A_458 : i32 to index
        %get3A_468 = arith.constant 0 : index
        %get3A_469 = tpu.vector_load %arg15[%get3A_467, %get3A_468] {strides = array<i32>} : memref<100x64xf32, #tpu.memory_space<vmem>>, vector<1x16xf32>,
        %get3A_470 = vector.shape_cast %get3A_469 : vector<1x16xf32> to vector<16xf32>
        %mul3A_471 = arith.mulf %mul3A_466, %get3A_470 : vector<16xf32>
        %add3A_472 = arith.addf %scan3A_449, %mul3A_471 : vector<16xf32>
        %get3A_473 = arith.index_cast %add3A_458 : i32 to index
        %get3A_474 = arith.constant 16 : index
        %get3A_475 = tpu.vector_load %arg11[%get3A_473, %get3A_474] {strides = array<i32>} : memref<100x64xf32, #tpu.memory_space<vmem>>, vector<1x16xf32>,
        %get3A_476 = vector.shape_cast %get3A_475 : vector<1x16xf32> to vector<16xf32>
        %get3A_477 = arith.index_cast %add3A_458 : i32 to index
        %get3A_478 = arith.constant 16 : index
        %get3A_479 = tpu.vector_load %arg13[%get3A_477, %get3A_478] {strides = array<i32>} : memref<100x64xf32, #tpu.memory_space<vmem>>, vector<1x16xf32>,
        %get3A_480 = vector.shape_cast %get3A_479 : vector<1x16xf32> to vector<16xf32>
        %mul3A_481 = arith.mulf %get3A_476, %get3A_480 : vector<16xf32>
        %get3A_482 = arith.index_cast %add3A_458 : i32 to index
        %get3A_483 = arith.constant 16 : index
        %get3A_484 = tpu.vector_load %arg15[%get3A_482, %get3A_483] {strides = array<i32>} : memref<100x64xf32, #tpu.memory_space<vmem>>, vector<1x16xf32>,
        %get3A_485 = vector.shape_cast %get3A_484 : vector<1x16xf32> to vector<16xf32>
        %mul3A_486 = arith.mulf %mul3A_481, %get3A_485 : vector<16xf32>
        %add3A_487 = arith.addf %scan3A_450, %mul3A_486 : vector<16xf32>
        %get3A_488 = arith.index_cast %add3A_458 : i32 to index
        %get3A_489 = arith.constant 32 : index
        %get3A_490 = tpu.vector_load %arg11[%get3A_488, %get3A_489] {strides = array<i32>} : memref<100x64xf32, #tpu.memory_space<vmem>>, vector<1x16xf32>,
        %get3A_491 = vector.shape_cast %get3A_490 : vector<1x16xf32> to vector<16xf32>
        %get3A_492 = arith.index_cast %add3A_458 : i32 to index
        %get3A_493 = arith.constant 32 : index
        %get3A_494 = tpu.vector_load %arg13[%get3A_492, %get3A_493] {strides = array<i32>} : memref<100x64xf32, #tpu.memory_space<vmem>>, vector<1x16xf32>,
        %get3A_495 = vector.shape_cast %get3A_494 : vector<1x16xf32> to vector<16xf32>
        %mul3A_496 = arith.mulf %get3A_491, %get3A_495 : vector<16xf32>
        %get3A_497 = arith.index_cast %add3A_458 : i32 to index
        %get3A_498 = arith.constant 32 : index
        %get3A_499 = tpu.vector_load %arg15[%get3A_497, %get3A_498] {strides = array<i32>} : memref<100x64xf32, #tpu.memory_space<vmem>>, vector<1x16xf32>,
        %get3A_500 = vector.shape_cast %get3A_499 : vector<1x16xf32> to vector<16xf32>
        %mul3A_501 = arith.mulf %mul3A_496, %get3A_500 : vector<16xf32>
        %add3A_502 = arith.addf %scan3A_451, %mul3A_501 : vector<16xf32>
        %get3A_503 = arith.index_cast %add3A_458 : i32 to index
        %get3A_504 = arith.constant 48 : index
        %get3A_505 = tpu.vector_load %arg11[%get3A_503, %get3A_504] {strides = array<i32>} : memref<100x64xf32, #tpu.memory_space<vmem>>, vector<1x16xf32>,
        %get3A_506 = vector.shape_cast %get3A_505 : vector<1x16xf32> to vector<16xf32>
        %get3A_507 = arith.index_cast %add3A_458 : i32 to index
        %get3A_508 = arith.constant 48 : index
        %get3A_509 = tpu.vector_load %arg13[%get3A_507, %get3A_508] {strides = array<i32>} : memref<100x64xf32, #tpu.memory_space<vmem>>, vector<1x16xf32>,
        %get3A_510 = vector.shape_cast %get3A_509 : vector<1x16xf32> to vector<16xf32>
        %mul3A_511 = arith.mulf %get3A_506, %get3A_510 : vector<16xf32>
        %get3A_512 = arith.index_cast %add3A_458 : i32 to index
        %get3A_513 = arith.constant 48 : index
        %get3A_514 = tpu.vector_load %arg15[%get3A_512, %get3A_513] {strides = array<i32>} : memref<100x64xf32, #tpu.memory_space<vmem>>, vector<1x16xf32>,
        %get3A_515 = vector.shape_cast %get3A_514 : vector<1x16xf32> to vector<16xf32>
        %mul3A_516 = arith.mulf %mul3A_511, %get3A_515 : vector<16xf32>
        %add3A_517 = arith.addf %scan3A_452, %mul3A_516 : vector<16xf32>
        %add3A_518 = arith.constant 50 : i32
        %add3A_519 = arith.addi %add3A_518, %scan3A_448 : i32
        %get3A_520 = arith.index_cast %add3A_519 : i32 to index
        %get3A_521 = arith.constant 0 : index
        %get3A_522 = tpu.vector_load %arg11[%get3A_520, %get3A_521] {strides = array<i32>} : memref<100x64xf32, #tpu.memory_space<vmem>>, vector<1x16xf32>,
        %get3A_523 = vector.shape_cast %get3A_522 : vector<1x16xf32> to vector<16xf32>
        %get3A_524 = arith.index_cast %add3A_519 : i32 to index
        %get3A_525 = arith.constant 0 : index
        %get3A_526 = tpu.vector_load %arg13[%get3A_524, %get3A_525] {strides = array<i32>} : memref<100x64xf32, #tpu.memory_space<vmem>>, vector<1x16xf32>,
        %get3A_527 = vector.shape_cast %get3A_526 : vector<1x16xf32> to vector<16xf32>
        %mul3A_528 = arith.mulf %get3A_523, %get3A_527 : vector<16xf32>
        %get3A_529 = arith.index_cast %add3A_519 : i32 to index
        %get3A_530 = arith.constant 0 : index
        %get3A_531 = tpu.vector_load %arg15[%get3A_529, %get3A_530] {strides = array<i32>} : memref<100x64xf32, #tpu.memory_space<vmem>>, vector<1x16xf32>,
        %get3A_532 = vector.shape_cast %get3A_531 : vector<1x16xf32> to vector<16xf32>
        %mul3A_533 = arith.mulf %mul3A_528, %get3A_532 : vector<16xf32>
        %add3A_534 = arith.addf %scan3A_453, %mul3A_533 : vector<16xf32>
        %get3A_535 = arith.index_cast %add3A_519 : i32 to index
        %get3A_536 = arith.constant 16 : index
        %get3A_537 = tpu.vector_load %arg11[%get3A_535, %get3A_536] {strides = array<i32>} : memref<100x64xf32, #tpu.memory_space<vmem>>, vector<1x16xf32>,
        %get3A_538 = vector.shape_cast %get3A_537 : vector<1x16xf32> to vector<16xf32>
        %get3A_539 = arith.index_cast %add3A_519 : i32 to index
        %get3A_540 = arith.constant 16 : index
        %get3A_541 = tpu.vector_load %arg13[%get3A_539, %get3A_540] {strides = array<i32>} : memref<100x64xf32, #tpu.memory_space<vmem>>, vector<1x16xf32>,
        %get3A_542 = vector.shape_cast %get3A_541 : vector<1x16xf32> to vector<16xf32>
        %mul3A_543 = arith.mulf %get3A_538, %get3A_542 : vector<16xf32>
        %get3A_544 = arith.index_cast %add3A_519 : i32 to index
        %get3A_545 = arith.constant 16 : index
        %get3A_546 = tpu.vector_load %arg15[%get3A_544, %get3A_545] {strides = array<i32>} : memref<100x64xf32, #tpu.memory_space<vmem>>, vector<1x16xf32>,
        %get3A_547 = vector.shape_cast %get3A_546 : vector<1x16xf32> to vector<16xf32>
        %mul3A_548 = arith.mulf %mul3A_543, %get3A_547 : vector<16xf32>
        %add3A_549 = arith.addf %scan3A_454, %mul3A_548 : vector<16xf32>
        %get3A_550 = arith.index_cast %add3A_519 : i32 to index
        %get3A_551 = arith.constant 32 : index
        %get3A_552 = tpu.vector_load %arg11[%get3A_550, %get3A_551] {strides = array<i32>} : memref<100x64xf32, #tpu.memory_space<vmem>>, vector<1x16xf32>,
        %get3A_553 = vector.shape_cast %get3A_552 : vector<1x16xf32> to vector<16xf32>
        %get3A_554 = arith.index_cast %add3A_519 : i32 to index
        %get3A_555 = arith.constant 32 : index
        %get3A_556 = tpu.vector_load %arg13[%get3A_554, %get3A_555] {strides = array<i32>} : memref<100x64xf32, #tpu.memory_space<vmem>>, vector<1x16xf32>,
        %get3A_557 = vector.shape_cast %get3A_556 : vector<1x16xf32> to vector<16xf32>
        %mul3A_558 = arith.mulf %get3A_553, %get3A_557 : vector<16xf32>
        %get3A_559 = arith.index_cast %add3A_519 : i32 to index
        %get3A_560 = arith.constant 32 : index
        %get3A_561 = tpu.vector_load %arg15[%get3A_559, %get3A_560] {strides = array<i32>} : memref<100x64xf32, #tpu.memory_space<vmem>>, vector<1x16xf32>,
        %get3A_562 = vector.shape_cast %get3A_561 : vector<1x16xf32> to vector<16xf32>
        %mul3A_563 = arith.mulf %mul3A_558, %get3A_562 : vector<16xf32>
        %add3A_564 = arith.addf %scan3A_455, %mul3A_563 : vector<16xf32>
        %get3A_565 = arith.index_cast %add3A_519 : i32 to index
        %get3A_566 = arith.constant 48 : index
        %get3A_567 = tpu.vector_load %arg11[%get3A_565, %get3A_566] {strides = array<i32>} : memref<100x64xf32, #tpu.memory_space<vmem>>, vector<1x16xf32>,
        %get3A_568 = vector.shape_cast %get3A_567 : vector<1x16xf32> to vector<16xf32>
        %get3A_569 = arith.index_cast %add3A_519 : i32 to index
        %get3A_570 = arith.constant 48 : index
        %get3A_571 = tpu.vector_load %arg13[%get3A_569, %get3A_570] {strides = array<i32>} : memref<100x64xf32, #tpu.memory_space<vmem>>, vector<1x16xf32>,
        %get3A_572 = vector.shape_cast %get3A_571 : vector<1x16xf32> to vector<16xf32>
        %mul3A_573 = arith.mulf %get3A_568, %get3A_572 : vector<16xf32>
        %get3A_574 = arith.index_cast %add3A_519 : i32 to index
        %get3A_575 = arith.constant 48 : index
        %get3A_576 = tpu.vector_load %arg15[%get3A_574, %get3A_575] {strides = array<i32>} : memref<100x64xf32, #tpu.memory_space<vmem>>, vector<1x16xf32>,
        %get3A_577 = vector.shape_cast %get3A_576 : vector<1x16xf32> to vector<16xf32>
        %mul3A_578 = arith.mulf %mul3A_573, %get3A_577 : vector<16xf32>
        %add3A_579 = arith.addf %scan3A_456, %mul3A_578 : vector<16xf32>
        scf.yield %add3A_472, %add3A_487, %add3A_502, %add3A_517, %add3A_534, %add3A_549, %add3A_564, %add3A_579 : vector<16xf32>, vector<16xf32>, vector<16xf32>, vector<16xf32>, vector<16xf32>, vector<16xf32>, vector<16xf32>, vector<16xf32>
      }
      %scan3A_232 = arith.constant 50 : i32
      %mul3A_233 = arith.constant 2 : i32
      %mul3A_234 = arith.muli %add3A_206, %mul3A_233 : i32
      %add3A_235 = arith.constant 0 : i32
      %add3A_236 = arith.addi %mul3A_234, %add3A_235 : i32
      %swap3A_237 = arith.index_cast %add3A_236 : i32 to index
      %swap3A_238 = arith.constant 0 : index
      %swap3A_239 = tpu.vector_load %arg17[%swap3A_237, %swap3A_238] {strides = array<i32>} : memref<128x64xf32, #tpu.memory_space<vmem>>, vector<1x16xf32>,
      %swap3A_240 = vector.shape_cast %swap3A_239 : vector<1x16xf32> to vector<16xf32>
      %swap3A_241 = vector.shape_cast %scan3A_231#0 : vector<16xf32> to vector<1x16xf32>
      tpu.vector_store %arg17[%swap3A_237, %swap3A_238], %swap3A_241 {strides = array<i32>} : memref<128x64xf32, #tpu.memory_space<vmem>>, vector<1x16xf32>,
      %mul3A_242 = arith.constant 2 : i32
      %mul3A_243 = arith.muli %add3A_206, %mul3A_242 : i32
      %add3A_244 = arith.constant 0 : i32
      %add3A_245 = arith.addi %mul3A_243, %add3A_244 : i32
      %swap3A_246 = arith.index_cast %add3A_245 : i32 to index
      %swap3A_247 = arith.constant 16 : index
      %swap3A_248 = tpu.vector_load %arg17[%swap3A_246, %swap3A_247] {strides = array<i32>} : memref<128x64xf32, #tpu.memory_space<vmem>>, vector<1x16xf32>,
      %swap3A_249 = vector.shape_cast %swap3A_248 : vector<1x16xf32> to vector<16xf32>
      %swap3A_250 = vector.shape_cast %scan3A_231#1 : vector<16xf32> to vector<1x16xf32>
      tpu.vector_store %arg17[%swap3A_246, %swap3A_247], %swap3A_250 {strides = array<i32>} : memref<128x64xf32, #tpu.memory_space<vmem>>, vector<1x16xf32>,
      %mul3A_251 = arith.constant 2 : i32
      %mul3A_252 = arith.muli %add3A_206, %mul3A_251 : i32
      %add3A_253 = arith.constant 0 : i32
      %add3A_254 = arith.addi %mul3A_252, %add3A_253 : i32
      %swap3A_255 = arith.index_cast %add3A_254 : i32 to index
      %swap3A_256 = arith.constant 32 : index
      %swap3A_257 = tpu.vector_load %arg17[%swap3A_255, %swap3A_256] {strides = array<i32>} : memref<128x64xf32, #tpu.memory_space<vmem>>, vector<1x16xf32>,
      %swap3A_258 = vector.shape_cast %swap3A_257 : vector<1x16xf32> to vector<16xf32>
      %swap3A_259 = vector.shape_cast %scan3A_231#2 : vector<16xf32> to vector<1x16xf32>
      tpu.vector_store %arg17[%swap3A_255, %swap3A_256], %swap3A_259 {strides = array<i32>} : memref<128x64xf32, #tpu.memory_space<vmem>>, vector<1x16xf32>,
      %mul3A_260 = arith.constant 2 : i32
      %mul3A_261 = arith.muli %add3A_206, %mul3A_260 : i32
      %add3A_262 = arith.constant 0 : i32
      %add3A_263 = arith.addi %mul3A_261, %add3A_262 : i32
      %swap3A_264 = arith.index_cast %add3A_263 : i32 to index
      %swap3A_265 = arith.constant 48 : index
      %swap3A_266 = tpu.vector_load %arg17[%swap3A_264, %swap3A_265] {strides = array<i32>} : memref<128x64xf32, #tpu.memory_space<vmem>>, vector<1x16xf32>,
      %swap3A_267 = vector.shape_cast %swap3A_266 : vector<1x16xf32> to vector<16xf32>
      %swap3A_268 = vector.shape_cast %scan3A_231#3 : vector<16xf32> to vector<1x16xf32>
      tpu.vector_store %arg17[%swap3A_264, %swap3A_265], %swap3A_268 {strides = array<i32>} : memref<128x64xf32, #tpu.memory_space<vmem>>, vector<1x16xf32>,
      %mul3A_269 = arith.constant 2 : i32
      %mul3A_270 = arith.muli %add3A_206, %mul3A_269 : i32
      %add3A_271 = arith.constant 1 : i32
      %add3A_272 = arith.addi %mul3A_270, %add3A_271 : i32
      %swap3A_273 = arith.index_cast %add3A_272 : i32 to index
      %swap3A_274 = arith.constant 0 : index
      %swap3A_275 = tpu.vector_load %arg17[%swap3A_273, %swap3A_274] {strides = array<i32>} : memref<128x64xf32, #tpu.memory_space<vmem>>, vector<1x16xf32>,
      %swap3A_276 = vector.shape_cast %swap3A_275 : vector<1x16xf32> to vector<16xf32>
      %swap3A_277 = vector.shape_cast %scan3A_231#4 : vector<16xf32> to vector<1x16xf32>
      tpu.vector_store %arg17[%swap3A_273, %swap3A_274], %swap3A_277 {strides = array<i32>} : memref<128x64xf32, #tpu.memory_space<vmem>>, vector<1x16xf32>,
      %mul3A_278 = arith.constant 2 : i32
      %mul3A_279 = arith.muli %add3A_206, %mul3A_278 : i32
      %add3A_280 = arith.constant 1 : i32
      %add3A_281 = arith.addi %mul3A_279, %add3A_280 : i32
      %swap3A_282 = arith.index_cast %add3A_281 : i32 to index
      %swap3A_283 = arith.constant 16 : index
      %swap3A_284 = tpu.vector_load %arg17[%swap3A_282, %swap3A_283] {strides = array<i32>} : memref<128x64xf32, #tpu.memory_space<vmem>>, vector<1x16xf32>,
      %swap3A_285 = vector.shape_cast %swap3A_284 : vector<1x16xf32> to vector<16xf32>
      %swap3A_286 = vector.shape_cast %scan3A_231#5 : vector<16xf32> to vector<1x16xf32>
      tpu.vector_store %arg17[%swap3A_282, %swap3A_283], %swap3A_286 {strides = array<i32>} : memref<128x64xf32, #tpu.memory_space<vmem>>, vector<1x16xf32>,
      %mul3A_287 = arith.constant 2 : i32
      %mul3A_288 = arith.muli %add3A_206, %mul3A_287 : i32
      %add3A_289 = arith.constant 1 : i32
      %add3A_290 = arith.addi %mul3A_288, %add3A_289 : i32
      %swap3A_291 = arith.index_cast %add3A_290 : i32 to index
      %swap3A_292 = arith.constant 32 : index
      %swap3A_293 = tpu.vector_load %arg17[%swap3A_291, %swap3A_292] {strides = array<i32>} : memref<128x64xf32, #tpu.memory_space<vmem>>, vector<1x16xf32>,
      %swap3A_294 = vector.shape_cast %swap3A_293 : vector<1x16xf32> to vector<16xf32>
      %swap3A_295 = vector.shape_cast %scan3A_231#6 : vector<16xf32> to vector<1x16xf32>
      tpu.vector_store %arg17[%swap3A_291, %swap3A_292], %swap3A_295 {strides = array<i32>} : memref<128x64xf32, #tpu.memory_space<vmem>>, vector<1x16xf32>,
      %mul3A_296 = arith.constant 2 : i32
      %mul3A_297 = arith.muli %add3A_206, %mul3A_296 : i32
      %add3A_298 = arith.constant 1 : i32
      %add3A_299 = arith.addi %mul3A_297, %add3A_298 : i32
      %swap3A_300 = arith.index_cast %add3A_299 : i32 to index
      %swap3A_301 = arith.constant 48 : index
      %swap3A_302 = tpu.vector_load %arg17[%swap3A_300, %swap3A_301] {strides = array<i32>} : memref<128x64xf32, #tpu.memory_space<vmem>>, vector<1x16xf32>,
      %swap3A_303 = vector.shape_cast %swap3A_302 : vector<1x16xf32> to vector<16xf32>
      %swap3A_304 = vector.shape_cast %scan3A_231#7 : vector<16xf32> to vector<1x16xf32>
      tpu.vector_store %arg17[%swap3A_300, %swap3A_301], %swap3A_304 {strides = array<i32>} : memref<128x64xf32, #tpu.memory_space<vmem>>, vector<1x16xf32>,
      %add3A_305 = arith.constant 2 : i32
      %add3A_306 = arith.addi %add3A_206, %add3A_305 : i32
      %dma_start3A_307 = arith.constant 0 : i32
      %dma_start3A_308 = tpu.memref_slice %arg8[%add3A_306, %dma_start3A_307] : memref<64x100xi32, #tpu.memory_space<vmem>> -> memref<1x100xi32, #tpu.memory_space<vmem>>
      %dma_start3A_309 = tpu.memref_squeeze %dma_start3A_308 : memref<1x100xi32, #tpu.memory_space<vmem>> -> memref<100xi32, #tpu.memory_space<vmem>>
      %dma_start3A_310 = arith.constant 0 : i32
      %dma_start3A_311 = arith.constant 0 : i32
      %dma_start3A_312 = tpu.memref_slice %arg6[%dma_start3A_310, %dma_start3A_311] : memref<1000x64xf32, #tpu.memory_space<hbm>> -> memref<1000x64xf32, #tpu.memory_space<hbm>>
      tpu.enqueue_indirect_dma source(%dma_start3A_312 : memref<1000x64xf32, #tpu.memory_space<hbm>>) target(%arg11 : memref<100x64xf32, #tpu.memory_space<vmem>>) offsets(%dma_start3A_309 : memref<100xi32, #tpu.memory_space<vmem>>) semaphore(%arg18 : memref<!tpu.dma_semaphore, #tpu.memory_space<semaphore_mem>>)
      %dma_start3A_313 = arith.constant 0 : i32
      %dma_start3A_314 = tpu.memref_slice %arg9[%add3A_306, %dma_start3A_313] : memref<64x100xi32, #tpu.memory_space<vmem>> -> memref<1x100xi32, #tpu.memory_space<vmem>>
      %dma_start3A_315 = tpu.memref_squeeze %dma_start3A_314 : memref<1x100xi32, #tpu.memory_space<vmem>> -> memref<100xi32, #tpu.memory_space<vmem>>
      %dma_start3A_316 = arith.constant 0 : i32
      %dma_start3A_317 = arith.constant 0 : i32
      %dma_start3A_318 = tpu.memref_slice %arg5[%dma_start3A_316, %dma_start3A_317] : memref<1000000x64xf32, #tpu.memory_space<hbm>> -> memref<1000000x64xf32, #tpu.memory_space<hbm>>
      tpu.enqueue_indirect_dma source(%dma_start3A_318 : memref<1000000x64xf32, #tpu.memory_space<hbm>>) target(%arg13 : memref<100x64xf32, #tpu.memory_space<vmem>>) offsets(%dma_start3A_315 : memref<100xi32, #tpu.memory_space<vmem>>) semaphore(%arg18 : memref<!tpu.dma_semaphore, #tpu.memory_space<semaphore_mem>>)
      %dma_start3A_319 = arith.constant 0 : i32
      %dma_start3A_320 = tpu.memref_slice %arg10[%add3A_306, %dma_start3A_319] : memref<64x100xi32, #tpu.memory_space<vmem>> -> memref<1x100xi32, #tpu.memory_space<vmem>>
      %dma_start3A_321 = tpu.memref_squeeze %dma_start3A_320 : memref<1x100xi32, #tpu.memory_space<vmem>> -> memref<100xi32, #tpu.memory_space<vmem>>
      %dma_start3A_322 = arith.constant 0 : i32
      %dma_start3A_323 = arith.constant 0 : i32
      %dma_start3A_324 = tpu.memref_slice %arg5[%dma_start3A_322, %dma_start3A_323] : memref<1000000x64xf32, #tpu.memory_space<hbm>> -> memref<1000000x64xf32, #tpu.memory_space<hbm>>
      tpu.enqueue_indirect_dma source(%dma_start3A_324 : memref<1000000x64xf32, #tpu.memory_space<hbm>>) target(%arg15 : memref<100x64xf32, #tpu.memory_space<vmem>>) offsets(%dma_start3A_321 : memref<100xi32, #tpu.memory_space<vmem>>) semaphore(%arg18 : memref<!tpu.dma_semaphore, #tpu.memory_space<semaphore_mem>>)
      %mul3A_325 = arith.constant 2 : i32
      %mul3A_326 = arith.muli %scan3A_201, %mul3A_325 : i32
      %add3A_327 = arith.constant 1 : i32
      %add3A_328 = arith.addi %mul3A_326, %add3A_327 : i32
      %dma_wait3A_329 = arith.constant 0 : i32
      %dma_wait3A_330 = tpu.memref_slice %arg8[%add3A_328, %dma_wait3A_329] : memref<64x100xi32, #tpu.memory_space<vmem>> -> memref<1x100xi32, #tpu.memory_space<vmem>>
      %dma_wait3A_331 = tpu.memref_squeeze %dma_wait3A_330 : memref<1x100xi32, #tpu.memory_space<vmem>> -> memref<100xi32, #tpu.memory_space<vmem>>
      %dma_wait3A_332 = arith.constant 0 : i32
      %dma_wait3A_333 = arith.constant 0 : i32
      %dma_wait3A_334 = tpu.memref_slice %arg6[%dma_wait3A_332, %dma_wait3A_333] : memref<1000x64xf32, #tpu.memory_space<hbm>> -> memref<1000x64xf32, #tpu.memory_space<hbm>>
      tpu.wait_indirect_dma semaphore(%arg19 : memref<!tpu.dma_semaphore, #tpu.memory_space<semaphore_mem>>) src(%dma_wait3A_334 : memref<1000x64xf32, #tpu.memory_space<hbm>>) dst(%arg12 : memref<100x64xf32, #tpu.memory_space<vmem>>)
      %dma_wait3A_335 = arith.constant 0 : i32
      %dma_wait3A_336 = tpu.memref_slice %arg9[%add3A_328, %dma_wait3A_335] : memref<64x100xi32, #tpu.memory_space<vmem>> -> memref<1x100xi32, #tpu.memory_space<vmem>>
      %dma_wait3A_337 = tpu.memref_squeeze %dma_wait3A_336 : memref<1x100xi32, #tpu.memory_space<vmem>> -> memref<100xi32, #tpu.memory_space<vmem>>
      %dma_wait3A_338 = arith.constant 0 : i32
      %dma_wait3A_339 = arith.constant 0 : i32
      %dma_wait3A_340 = tpu.memref_slice %arg5[%dma_wait3A_338, %dma_wait3A_339] : memref<1000000x64xf32, #tpu.memory_space<hbm>> -> memref<1000000x64xf32, #tpu.memory_space<hbm>>
      tpu.wait_indirect_dma semaphore(%arg19 : memref<!tpu.dma_semaphore, #tpu.memory_space<semaphore_mem>>) src(%dma_wait3A_340 : memref<1000000x64xf32, #tpu.memory_space<hbm>>) dst(%arg14 : memref<100x64xf32, #tpu.memory_space<vmem>>)
      %dma_wait3A_341 = arith.constant 0 : i32
      %dma_wait3A_342 = tpu.memref_slice %arg10[%add3A_328, %dma_wait3A_341] : memref<64x100xi32, #tpu.memory_space<vmem>> -> memref<1x100xi32, #tpu.memory_space<vmem>>
      %dma_wait3A_343 = tpu.memref_squeeze %dma_wait3A_342 : memref<1x100xi32, #tpu.memory_space<vmem>> -> memref<100xi32, #tpu.memory_space<vmem>>
      %dma_wait3A_344 = arith.constant 0 : i32
      %dma_wait3A_345 = arith.constant 0 : i32
      %dma_wait3A_346 = tpu.memref_slice %arg5[%dma_wait3A_344, %dma_wait3A_345] : memref<1000000x64xf32, #tpu.memory_space<hbm>> -> memref<1000000x64xf32, #tpu.memory_space<hbm>>
      tpu.wait_indirect_dma semaphore(%arg19 : memref<!tpu.dma_semaphore, #tpu.memory_space<semaphore_mem>>) src(%dma_wait3A_346 : memref<1000000x64xf32, #tpu.memory_space<hbm>>) dst(%arg16 : memref<100x64xf32, #tpu.memory_space<vmem>>)
      %broadcast_in_dim3A_347 = arith.constant 0.000000e+00 : f32
      %broadcast_in_dim3A_348 = vector.broadcast %broadcast_in_dim3A_347 : f32 to vector<16xf32>
      %scan3A_349 = arith.constant 0 : i32
      %scan3A_350 = arith.constant 50 : i32
      %scan3A_351 = arith.addi %scan3A_349, %scan3A_350 : i32
      %scan3A_352 = arith.constant 1 : i32
      %scan3A_353:8 = scf.for %scan3A_448 = %scan3A_349 to %scan3A_351 step %scan3A_352 iter_args(%scan3A_449 = %broadcast_in_dim3A_348, %scan3A_450 = %broadcast_in_dim3A_348, %scan3A_451 = %broadcast_in_dim3A_348, %scan3A_452 = %broadcast_in_dim3A_348, %scan3A_453 = %broadcast_in_dim3A_348, %scan3A_454 = %broadcast_in_dim3A_348, %scan3A_455 = %broadcast_in_dim3A_348, %scan3A_456 = %broadcast_in_dim3A_348) -> (vector<16xf32>, vector<16xf32>, vector<16xf32>, vector<16xf32>, vector<16xf32>, vector<16xf32>, vector<16xf32>, vector<16xf32>)  : i32 {
        %add3A_457 = arith.constant 0 : i32
        %add3A_458 = arith.addi %add3A_457, %scan3A_448 : i32
        %get3A = arith.index_cast %add3A_458 : i32 to index
        %get3A_459 = arith.constant 0 : index
        %get3A_460 = tpu.vector_load %arg12[%get3A, %get3A_459] {strides = array<i32>} : memref<100x64xf32, #tpu.memory_space<vmem>>, vector<1x16xf32>,
        %get3A_461 = vector.shape_cast %get3A_460 : vector<1x16xf32> to vector<16xf32>
        %get3A_462 = arith.index_cast %add3A_458 : i32 to index
        %get3A_463 = arith.constant 0 : index
        %get3A_464 = tpu.vector_load %arg14[%get3A_462, %get3A_463] {strides = array<i32>} : memref<100x64xf32, #tpu.memory_space<vmem>>, vector<1x16xf32>,
        %get3A_465 = vector.shape_cast %get3A_464 : vector<1x16xf32> to vector<16xf32>
        %mul3A_466 = arith.mulf %get3A_461, %get3A_465 : vector<16xf32>
        %get3A_467 = arith.index_cast %add3A_458 : i32 to index
        %get3A_468 = arith.constant 0 : index
        %get3A_469 = tpu.vector_load %arg16[%get3A_467, %get3A_468] {strides = array<i32>} : memref<100x64xf32, #tpu.memory_space<vmem>>, vector<1x16xf32>,
        %get3A_470 = vector.shape_cast %get3A_469 : vector<1x16xf32> to vector<16xf32>
        %mul3A_471 = arith.mulf %mul3A_466, %get3A_470 : vector<16xf32>
        %add3A_472 = arith.addf %scan3A_449, %mul3A_471 : vector<16xf32>
        %get3A_473 = arith.index_cast %add3A_458 : i32 to index
        %get3A_474 = arith.constant 16 : index
        %get3A_475 = tpu.vector_load %arg12[%get3A_473, %get3A_474] {strides = array<i32>} : memref<100x64xf32, #tpu.memory_space<vmem>>, vector<1x16xf32>,
        %get3A_476 = vector.shape_cast %get3A_475 : vector<1x16xf32> to vector<16xf32>
        %get3A_477 = arith.index_cast %add3A_458 : i32 to index
        %get3A_478 = arith.constant 16 : index
        %get3A_479 = tpu.vector_load %arg14[%get3A_477, %get3A_478] {strides = array<i32>} : memref<100x64xf32, #tpu.memory_space<vmem>>, vector<1x16xf32>,
        %get3A_480 = vector.shape_cast %get3A_479 : vector<1x16xf32> to vector<16xf32>
        %mul3A_481 = arith.mulf %get3A_476, %get3A_480 : vector<16xf32>
        %get3A_482 = arith.index_cast %add3A_458 : i32 to index
        %get3A_483 = arith.constant 16 : index
        %get3A_484 = tpu.vector_load %arg16[%get3A_482, %get3A_483] {strides = array<i32>} : memref<100x64xf32, #tpu.memory_space<vmem>>, vector<1x16xf32>,
        %get3A_485 = vector.shape_cast %get3A_484 : vector<1x16xf32> to vector<16xf32>
        %mul3A_486 = arith.mulf %mul3A_481, %get3A_485 : vector<16xf32>
        %add3A_487 = arith.addf %scan3A_450, %mul3A_486 : vector<16xf32>
        %get3A_488 = arith.index_cast %add3A_458 : i32 to index
        %get3A_489 = arith.constant 32 : index
        %get3A_490 = tpu.vector_load %arg12[%get3A_488, %get3A_489] {strides = array<i32>} : memref<100x64xf32, #tpu.memory_space<vmem>>, vector<1x16xf32>,
        %get3A_491 = vector.shape_cast %get3A_490 : vector<1x16xf32> to vector<16xf32>
        %get3A_492 = arith.index_cast %add3A_458 : i32 to index
        %get3A_493 = arith.constant 32 : index
        %get3A_494 = tpu.vector_load %arg14[%get3A_492, %get3A_493] {strides = array<i32>} : memref<100x64xf32, #tpu.memory_space<vmem>>, vector<1x16xf32>,
        %get3A_495 = vector.shape_cast %get3A_494 : vector<1x16xf32> to vector<16xf32>
        %mul3A_496 = arith.mulf %get3A_491, %get3A_495 : vector<16xf32>
        %get3A_497 = arith.index_cast %add3A_458 : i32 to index
        %get3A_498 = arith.constant 32 : index
        %get3A_499 = tpu.vector_load %arg16[%get3A_497, %get3A_498] {strides = array<i32>} : memref<100x64xf32, #tpu.memory_space<vmem>>, vector<1x16xf32>,
        %get3A_500 = vector.shape_cast %get3A_499 : vector<1x16xf32> to vector<16xf32>
        %mul3A_501 = arith.mulf %mul3A_496, %get3A_500 : vector<16xf32>
        %add3A_502 = arith.addf %scan3A_451, %mul3A_501 : vector<16xf32>
        %get3A_503 = arith.index_cast %add3A_458 : i32 to index
        %get3A_504 = arith.constant 48 : index
        %get3A_505 = tpu.vector_load %arg12[%get3A_503, %get3A_504] {strides = array<i32>} : memref<100x64xf32, #tpu.memory_space<vmem>>, vector<1x16xf32>,
        %get3A_506 = vector.shape_cast %get3A_505 : vector<1x16xf32> to vector<16xf32>
        %get3A_507 = arith.index_cast %add3A_458 : i32 to index
        %get3A_508 = arith.constant 48 : index
        %get3A_509 = tpu.vector_load %arg14[%get3A_507, %get3A_508] {strides = array<i32>} : memref<100x64xf32, #tpu.memory_space<vmem>>, vector<1x16xf32>,
        %get3A_510 = vector.shape_cast %get3A_509 : vector<1x16xf32> to vector<16xf32>
        %mul3A_511 = arith.mulf %get3A_506, %get3A_510 : vector<16xf32>
        %get3A_512 = arith.index_cast %add3A_458 : i32 to index
        %get3A_513 = arith.constant 48 : index
        %get3A_514 = tpu.vector_load %arg16[%get3A_512, %get3A_513] {strides = array<i32>} : memref<100x64xf32, #tpu.memory_space<vmem>>, vector<1x16xf32>,
        %get3A_515 = vector.shape_cast %get3A_514 : vector<1x16xf32> to vector<16xf32>
        %mul3A_516 = arith.mulf %mul3A_511, %get3A_515 : vector<16xf32>
        %add3A_517 = arith.addf %scan3A_452, %mul3A_516 : vector<16xf32>
        %add3A_518 = arith.constant 50 : i32
        %add3A_519 = arith.addi %add3A_518, %scan3A_448 : i32
        %get3A_520 = arith.index_cast %add3A_519 : i32 to index
        %get3A_521 = arith.constant 0 : index
        %get3A_522 = tpu.vector_load %arg12[%get3A_520, %get3A_521] {strides = array<i32>} : memref<100x64xf32, #tpu.memory_space<vmem>>, vector<1x16xf32>,
        %get3A_523 = vector.shape_cast %get3A_522 : vector<1x16xf32> to vector<16xf32>
        %get3A_524 = arith.index_cast %add3A_519 : i32 to index
        %get3A_525 = arith.constant 0 : index
        %get3A_526 = tpu.vector_load %arg14[%get3A_524, %get3A_525] {strides = array<i32>} : memref<100x64xf32, #tpu.memory_space<vmem>>, vector<1x16xf32>,
        %get3A_527 = vector.shape_cast %get3A_526 : vector<1x16xf32> to vector<16xf32>
        %mul3A_528 = arith.mulf %get3A_523, %get3A_527 : vector<16xf32>
        %get3A_529 = arith.index_cast %add3A_519 : i32 to index
        %get3A_530 = arith.constant 0 : index
        %get3A_531 = tpu.vector_load %arg16[%get3A_529, %get3A_530] {strides = array<i32>} : memref<100x64xf32, #tpu.memory_space<vmem>>, vector<1x16xf32>,
        %get3A_532 = vector.shape_cast %get3A_531 : vector<1x16xf32> to vector<16xf32>
        %mul3A_533 = arith.mulf %mul3A_528, %get3A_532 : vector<16xf32>
        %add3A_534 = arith.addf %scan3A_453, %mul3A_533 : vector<16xf32>
        %get3A_535 = arith.index_cast %add3A_519 : i32 to index
        %get3A_536 = arith.constant 16 : index
        %get3A_537 = tpu.vector_load %arg12[%get3A_535, %get3A_536] {strides = array<i32>} : memref<100x64xf32, #tpu.memory_space<vmem>>, vector<1x16xf32>,
        %get3A_538 = vector.shape_cast %get3A_537 : vector<1x16xf32> to vector<16xf32>
        %get3A_539 = arith.index_cast %add3A_519 : i32 to index
        %get3A_540 = arith.constant 16 : index
        %get3A_541 = tpu.vector_load %arg14[%get3A_539, %get3A_540] {strides = array<i32>} : memref<100x64xf32, #tpu.memory_space<vmem>>, vector<1x16xf32>,
        %get3A_542 = vector.shape_cast %get3A_541 : vector<1x16xf32> to vector<16xf32>
        %mul3A_543 = arith.mulf %get3A_538, %get3A_542 : vector<16xf32>
        %get3A_544 = arith.index_cast %add3A_519 : i32 to index
        %get3A_545 = arith.constant 16 : index
        %get3A_546 = tpu.vector_load %arg16[%get3A_544, %get3A_545] {strides = array<i32>} : memref<100x64xf32, #tpu.memory_space<vmem>>, vector<1x16xf32>,
        %get3A_547 = vector.shape_cast %get3A_546 : vector<1x16xf32> to vector<16xf32>
        %mul3A_548 = arith.mulf %mul3A_543, %get3A_547 : vector<16xf32>
        %add3A_549 = arith.addf %scan3A_454, %mul3A_548 : vector<16xf32>
        %get3A_550 = arith.index_cast %add3A_519 : i32 to index
        %get3A_551 = arith.constant 32 : index
        %get3A_552 = tpu.vector_load %arg12[%get3A_550, %get3A_551] {strides = array<i32>} : memref<100x64xf32, #tpu.memory_space<vmem>>, vector<1x16xf32>,
        %get3A_553 = vector.shape_cast %get3A_552 : vector<1x16xf32> to vector<16xf32>
        %get3A_554 = arith.index_cast %add3A_519 : i32 to index
        %get3A_555 = arith.constant 32 : index
        %get3A_556 = tpu.vector_load %arg14[%get3A_554, %get3A_555] {strides = array<i32>} : memref<100x64xf32, #tpu.memory_space<vmem>>, vector<1x16xf32>,
        %get3A_557 = vector.shape_cast %get3A_556 : vector<1x16xf32> to vector<16xf32>
        %mul3A_558 = arith.mulf %get3A_553, %get3A_557 : vector<16xf32>
        %get3A_559 = arith.index_cast %add3A_519 : i32 to index
        %get3A_560 = arith.constant 32 : index
        %get3A_561 = tpu.vector_load %arg16[%get3A_559, %get3A_560] {strides = array<i32>} : memref<100x64xf32, #tpu.memory_space<vmem>>, vector<1x16xf32>,
        %get3A_562 = vector.shape_cast %get3A_561 : vector<1x16xf32> to vector<16xf32>
        %mul3A_563 = arith.mulf %mul3A_558, %get3A_562 : vector<16xf32>
        %add3A_564 = arith.addf %scan3A_455, %mul3A_563 : vector<16xf32>
        %get3A_565 = arith.index_cast %add3A_519 : i32 to index
        %get3A_566 = arith.constant 48 : index
        %get3A_567 = tpu.vector_load %arg12[%get3A_565, %get3A_566] {strides = array<i32>} : memref<100x64xf32, #tpu.memory_space<vmem>>, vector<1x16xf32>,
        %get3A_568 = vector.shape_cast %get3A_567 : vector<1x16xf32> to vector<16xf32>
        %get3A_569 = arith.index_cast %add3A_519 : i32 to index
        %get3A_570 = arith.constant 48 : index
        %get3A_571 = tpu.vector_load %arg14[%get3A_569, %get3A_570] {strides = array<i32>} : memref<100x64xf32, #tpu.memory_space<vmem>>, vector<1x16xf32>,
        %get3A_572 = vector.shape_cast %get3A_571 : vector<1x16xf32> to vector<16xf32>
        %mul3A_573 = arith.mulf %get3A_568, %get3A_572 : vector<16xf32>
        %get3A_574 = arith.index_cast %add3A_519 : i32 to index
        %get3A_575 = arith.constant 48 : index
        %get3A_576 = tpu.vector_load %arg16[%get3A_574, %get3A_575] {strides = array<i32>} : memref<100x64xf32, #tpu.memory_space<vmem>>, vector<1x16xf32>,
        %get3A_577 = vector.shape_cast %get3A_576 : vector<1x16xf32> to vector<16xf32>
        %mul3A_578 = arith.mulf %mul3A_573, %get3A_577 : vector<16xf32>
        %add3A_579 = arith.addf %scan3A_456, %mul3A_578 : vector<16xf32>
        scf.yield %add3A_472, %add3A_487, %add3A_502, %add3A_517, %add3A_534, %add3A_549, %add3A_564, %add3A_579 : vector<16xf32>, vector<16xf32>, vector<16xf32>, vector<16xf32>, vector<16xf32>, vector<16xf32>, vector<16xf32>, vector<16xf32>
      }
      %scan3A_354 = arith.constant 50 : i32
      %mul3A_355 = arith.constant 2 : i32
      %mul3A_356 = arith.muli %add3A_328, %mul3A_355 : i32
      %add3A_357 = arith.constant 0 : i32
      %add3A_358 = arith.addi %mul3A_356, %add3A_357 : i32
      %swap3A_359 = arith.index_cast %add3A_358 : i32 to index
      %swap3A_360 = arith.constant 0 : index
      %swap3A_361 = tpu.vector_load %arg17[%swap3A_359, %swap3A_360] {strides = array<i32>} : memref<128x64xf32, #tpu.memory_space<vmem>>, vector<1x16xf32>,
      %swap3A_362 = vector.shape_cast %swap3A_361 : vector<1x16xf32> to vector<16xf32>
      %swap3A_363 = vector.shape_cast %scan3A_353#0 : vector<16xf32> to vector<1x16xf32>
      tpu.vector_store %arg17[%swap3A_359, %swap3A_360], %swap3A_363 {strides = array<i32>} : memref<128x64xf32, #tpu.memory_space<vmem>>, vector<1x16xf32>,
      %mul3A_364 = arith.constant 2 : i32
      %mul3A_365 = arith.muli %add3A_328, %mul3A_364 : i32
      %add3A_366 = arith.constant 0 : i32
      %add3A_367 = arith.addi %mul3A_365, %add3A_366 : i32
      %swap3A_368 = arith.index_cast %add3A_367 : i32 to index
      %swap3A_369 = arith.constant 16 : index
      %swap3A_370 = tpu.vector_load %arg17[%swap3A_368, %swap3A_369] {strides = array<i32>} : memref<128x64xf32, #tpu.memory_space<vmem>>, vector<1x16xf32>,
      %swap3A_371 = vector.shape_cast %swap3A_370 : vector<1x16xf32> to vector<16xf32>
      %swap3A_372 = vector.shape_cast %scan3A_353#1 : vector<16xf32> to vector<1x16xf32>
      tpu.vector_store %arg17[%swap3A_368, %swap3A_369], %swap3A_372 {strides = array<i32>} : memref<128x64xf32, #tpu.memory_space<vmem>>, vector<1x16xf32>,
      %mul3A_373 = arith.constant 2 : i32
      %mul3A_374 = arith.muli %add3A_328, %mul3A_373 : i32
      %add3A_375 = arith.constant 0 : i32
      %add3A_376 = arith.addi %mul3A_374, %add3A_375 : i32
      %swap3A_377 = arith.index_cast %add3A_376 : i32 to index
      %swap3A_378 = arith.constant 32 : index
      %swap3A_379 = tpu.vector_load %arg17[%swap3A_377, %swap3A_378] {strides = array<i32>} : memref<128x64xf32, #tpu.memory_space<vmem>>, vector<1x16xf32>,
      %swap3A_380 = vector.shape_cast %swap3A_379 : vector<1x16xf32> to vector<16xf32>
      %swap3A_381 = vector.shape_cast %scan3A_353#2 : vector<16xf32> to vector<1x16xf32>
      tpu.vector_store %arg17[%swap3A_377, %swap3A_378], %swap3A_381 {strides = array<i32>} : memref<128x64xf32, #tpu.memory_space<vmem>>, vector<1x16xf32>,
      %mul3A_382 = arith.constant 2 : i32
      %mul3A_383 = arith.muli %add3A_328, %mul3A_382 : i32
      %add3A_384 = arith.constant 0 : i32
      %add3A_385 = arith.addi %mul3A_383, %add3A_384 : i32
      %swap3A_386 = arith.index_cast %add3A_385 : i32 to index
      %swap3A_387 = arith.constant 48 : index
      %swap3A_388 = tpu.vector_load %arg17[%swap3A_386, %swap3A_387] {strides = array<i32>} : memref<128x64xf32, #tpu.memory_space<vmem>>, vector<1x16xf32>,
      %swap3A_389 = vector.shape_cast %swap3A_388 : vector<1x16xf32> to vector<16xf32>
      %swap3A_390 = vector.shape_cast %scan3A_353#3 : vector<16xf32> to vector<1x16xf32>
      tpu.vector_store %arg17[%swap3A_386, %swap3A_387], %swap3A_390 {strides = array<i32>} : memref<128x64xf32, #tpu.memory_space<vmem>>, vector<1x16xf32>,
      %mul3A_391 = arith.constant 2 : i32
      %mul3A_392 = arith.muli %add3A_328, %mul3A_391 : i32
      %add3A_393 = arith.constant 1 : i32
      %add3A_394 = arith.addi %mul3A_392, %add3A_393 : i32
      %swap3A_395 = arith.index_cast %add3A_394 : i32 to index
      %swap3A_396 = arith.constant 0 : index
      %swap3A_397 = tpu.vector_load %arg17[%swap3A_395, %swap3A_396] {strides = array<i32>} : memref<128x64xf32, #tpu.memory_space<vmem>>, vector<1x16xf32>,
      %swap3A_398 = vector.shape_cast %swap3A_397 : vector<1x16xf32> to vector<16xf32>
      %swap3A_399 = vector.shape_cast %scan3A_353#4 : vector<16xf32> to vector<1x16xf32>
      tpu.vector_store %arg17[%swap3A_395, %swap3A_396], %swap3A_399 {strides = array<i32>} : memref<128x64xf32, #tpu.memory_space<vmem>>, vector<1x16xf32>,
      %mul3A_400 = arith.constant 2 : i32
      %mul3A_401 = arith.muli %add3A_328, %mul3A_400 : i32
      %add3A_402 = arith.constant 1 : i32
      %add3A_403 = arith.addi %mul3A_401, %add3A_402 : i32
      %swap3A_404 = arith.index_cast %add3A_403 : i32 to index
      %swap3A_405 = arith.constant 16 : index
      %swap3A_406 = tpu.vector_load %arg17[%swap3A_404, %swap3A_405] {strides = array<i32>} : memref<128x64xf32, #tpu.memory_space<vmem>>, vector<1x16xf32>,
      %swap3A_407 = vector.shape_cast %swap3A_406 : vector<1x16xf32> to vector<16xf32>
      %swap3A_408 = vector.shape_cast %scan3A_353#5 : vector<16xf32> to vector<1x16xf32>
      tpu.vector_store %arg17[%swap3A_404, %swap3A_405], %swap3A_408 {strides = array<i32>} : memref<128x64xf32, #tpu.memory_space<vmem>>, vector<1x16xf32>,
      %mul3A_409 = arith.constant 2 : i32
      %mul3A_410 = arith.muli %add3A_328, %mul3A_409 : i32
      %add3A_411 = arith.constant 1 : i32
      %add3A_412 = arith.addi %mul3A_410, %add3A_411 : i32
      %swap3A_413 = arith.index_cast %add3A_412 : i32 to index
      %swap3A_414 = arith.constant 32 : index
      %swap3A_415 = tpu.vector_load %arg17[%swap3A_413, %swap3A_414] {strides = array<i32>} : memref<128x64xf32, #tpu.memory_space<vmem>>, vector<1x16xf32>,
      %swap3A_416 = vector.shape_cast %swap3A_415 : vector<1x16xf32> to vector<16xf32>
      %swap3A_417 = vector.shape_cast %scan3A_353#6 : vector<16xf32> to vector<1x16xf32>
      tpu.vector_store %arg17[%swap3A_413, %swap3A_414], %swap3A_417 {strides = array<i32>} : memref<128x64xf32, #tpu.memory_space<vmem>>, vector<1x16xf32>,
      %mul3A_418 = arith.constant 2 : i32
      %mul3A_419 = arith.muli %add3A_328, %mul3A_418 : i32
      %add3A_420 = arith.constant 1 : i32
      %add3A_421 = arith.addi %mul3A_419, %add3A_420 : i32
      %swap3A_422 = arith.index_cast %add3A_421 : i32 to index
      %swap3A_423 = arith.constant 48 : index
      %swap3A_424 = tpu.vector_load %arg17[%swap3A_422, %swap3A_423] {strides = array<i32>} : memref<128x64xf32, #tpu.memory_space<vmem>>, vector<1x16xf32>,
      %swap3A_425 = vector.shape_cast %swap3A_424 : vector<1x16xf32> to vector<16xf32>
      %swap3A_426 = vector.shape_cast %scan3A_353#7 : vector<16xf32> to vector<1x16xf32>
      tpu.vector_store %arg17[%swap3A_422, %swap3A_423], %swap3A_426 {strides = array<i32>} : memref<128x64xf32, #tpu.memory_space<vmem>>, vector<1x16xf32>,
      %add3A_427 = arith.constant 2 : i32
      %add3A_428 = arith.addi %add3A_328, %add3A_427 : i32
      %dma_start3A_429 = arith.constant 0 : i32
      %dma_start3A_430 = tpu.memref_slice %arg8[%add3A_428, %dma_start3A_429] : memref<64x100xi32, #tpu.memory_space<vmem>> -> memref<1x100xi32, #tpu.memory_space<vmem>>
      %dma_start3A_431 = tpu.memref_squeeze %dma_start3A_430 : memref<1x100xi32, #tpu.memory_space<vmem>> -> memref<100xi32, #tpu.memory_space<vmem>>
      %dma_start3A_432 = arith.constant 0 : i32
      %dma_start3A_433 = arith.constant 0 : i32
      %dma_start3A_434 = tpu.memref_slice %arg6[%dma_start3A_432, %dma_start3A_433] : memref<1000x64xf32, #tpu.memory_space<hbm>> -> memref<1000x64xf32, #tpu.memory_space<hbm>>
      tpu.enqueue_indirect_dma source(%dma_start3A_434 : memref<1000x64xf32, #tpu.memory_space<hbm>>) target(%arg12 : memref<100x64xf32, #tpu.memory_space<vmem>>) offsets(%dma_start3A_431 : memref<100xi32, #tpu.memory_space<vmem>>) semaphore(%arg19 : memref<!tpu.dma_semaphore, #tpu.memory_space<semaphore_mem>>)
      %dma_start3A_435 = arith.constant 0 : i32
      %dma_start3A_436 = tpu.memref_slice %arg9[%add3A_428, %dma_start3A_435] : memref<64x100xi32, #tpu.memory_space<vmem>> -> memref<1x100xi32, #tpu.memory_space<vmem>>
      %dma_start3A_437 = tpu.memref_squeeze %dma_start3A_436 : memref<1x100xi32, #tpu.memory_space<vmem>> -> memref<100xi32, #tpu.memory_space<vmem>>
      %dma_start3A_438 = arith.constant 0 : i32
      %dma_start3A_439 = arith.constant 0 : i32
      %dma_start3A_440 = tpu.memref_slice %arg5[%dma_start3A_438, %dma_start3A_439] : memref<1000000x64xf32, #tpu.memory_space<hbm>> -> memref<1000000x64xf32, #tpu.memory_space<hbm>>
      tpu.enqueue_indirect_dma source(%dma_start3A_440 : memref<1000000x64xf32, #tpu.memory_space<hbm>>) target(%arg14 : memref<100x64xf32, #tpu.memory_space<vmem>>) offsets(%dma_start3A_437 : memref<100xi32, #tpu.memory_space<vmem>>) semaphore(%arg19 : memref<!tpu.dma_semaphore, #tpu.memory_space<semaphore_mem>>)
      %dma_start3A_441 = arith.constant 0 : i32
      %dma_start3A_442 = tpu.memref_slice %arg10[%add3A_428, %dma_start3A_441] : memref<64x100xi32, #tpu.memory_space<vmem>> -> memref<1x100xi32, #tpu.memory_space<vmem>>
      %dma_start3A_443 = tpu.memref_squeeze %dma_start3A_442 : memref<1x100xi32, #tpu.memory_space<vmem>> -> memref<100xi32, #tpu.memory_space<vmem>>
      %dma_start3A_444 = arith.constant 0 : i32
      %dma_start3A_445 = arith.constant 0 : i32
      %dma_start3A_446 = tpu.memref_slice %arg5[%dma_start3A_444, %dma_start3A_445] : memref<1000000x64xf32, #tpu.memory_space<hbm>> -> memref<1000000x64xf32, #tpu.memory_space<hbm>>
      tpu.enqueue_indirect_dma source(%dma_start3A_446 : memref<1000000x64xf32, #tpu.memory_space<hbm>>) target(%arg16 : memref<100x64xf32, #tpu.memory_space<vmem>>) offsets(%dma_start3A_443 : memref<100xi32, #tpu.memory_space<vmem>>) semaphore(%arg19 : memref<!tpu.dma_semaphore, #tpu.memory_space<semaphore_mem>>)
      %scan3A_447 = arith.constant 0 : i32
      scf.yield %scan3A_447 : i32
    }
    %scan3A_47 = arith.constant 31 : i32
    %dma_wait3A = arith.constant 62 : i32
    %dma_wait3A_48 = arith.constant 0 : i32
    %dma_wait3A_49 = tpu.memref_slice %arg8[%dma_wait3A, %dma_wait3A_48] : memref<64x100xi32, #tpu.memory_space<vmem>> -> memref<1x100xi32, #tpu.memory_space<vmem>>
    %dma_wait3A_50 = tpu.memref_squeeze %dma_wait3A_49 : memref<1x100xi32, #tpu.memory_space<vmem>> -> memref<100xi32, #tpu.memory_space<vmem>>
    %dma_wait3A_51 = arith.constant 0 : i32
    %dma_wait3A_52 = arith.constant 0 : i32
    %dma_wait3A_53 = tpu.memref_slice %arg6[%dma_wait3A_51, %dma_wait3A_52] : memref<1000x64xf32, #tpu.memory_space<hbm>> -> memref<1000x64xf32, #tpu.memory_space<hbm>>
    tpu.wait_indirect_dma semaphore(%arg18 : memref<!tpu.dma_semaphore, #tpu.memory_space<semaphore_mem>>) src(%dma_wait3A_53 : memref<1000x64xf32, #tpu.memory_space<hbm>>) dst(%arg11 : memref<100x64xf32, #tpu.memory_space<vmem>>)
    %dma_wait3A_54 = arith.constant 62 : i32
    %dma_wait3A_55 = arith.constant 0 : i32
    %dma_wait3A_56 = tpu.memref_slice %arg9[%dma_wait3A_54, %dma_wait3A_55] : memref<64x100xi32, #tpu.memory_space<vmem>> -> memref<1x100xi32, #tpu.memory_space<vmem>>
    %dma_wait3A_57 = tpu.memref_squeeze %dma_wait3A_56 : memref<1x100xi32, #tpu.memory_space<vmem>> -> memref<100xi32, #tpu.memory_space<vmem>>
    %dma_wait3A_58 = arith.constant 0 : i32
    %dma_wait3A_59 = arith.constant 0 : i32
    %dma_wait3A_60 = tpu.memref_slice %arg5[%dma_wait3A_58, %dma_wait3A_59] : memref<1000000x64xf32, #tpu.memory_space<hbm>> -> memref<1000000x64xf32, #tpu.memory_space<hbm>>
    tpu.wait_indirect_dma semaphore(%arg18 : memref<!tpu.dma_semaphore, #tpu.memory_space<semaphore_mem>>) src(%dma_wait3A_60 : memref<1000000x64xf32, #tpu.memory_space<hbm>>) dst(%arg13 : memref<100x64xf32, #tpu.memory_space<vmem>>)
    %dma_wait3A_61 = arith.constant 62 : i32
    %dma_wait3A_62 = arith.constant 0 : i32
    %dma_wait3A_63 = tpu.memref_slice %arg10[%dma_wait3A_61, %dma_wait3A_62] : memref<64x100xi32, #tpu.memory_space<vmem>> -> memref<1x100xi32, #tpu.memory_space<vmem>>
    %dma_wait3A_64 = tpu.memref_squeeze %dma_wait3A_63 : memref<1x100xi32, #tpu.memory_space<vmem>> -> memref<100xi32, #tpu.memory_space<vmem>>
    %dma_wait3A_65 = arith.constant 0 : i32
    %dma_wait3A_66 = arith.constant 0 : i32
    %dma_wait3A_67 = tpu.memref_slice %arg5[%dma_wait3A_65, %dma_wait3A_66] : memref<1000000x64xf32, #tpu.memory_space<hbm>> -> memref<1000000x64xf32, #tpu.memory_space<hbm>>
    tpu.wait_indirect_dma semaphore(%arg18 : memref<!tpu.dma_semaphore, #tpu.memory_space<semaphore_mem>>) src(%dma_wait3A_67 : memref<1000000x64xf32, #tpu.memory_space<hbm>>) dst(%arg15 : memref<100x64xf32, #tpu.memory_space<vmem>>)
    %broadcast_in_dim3A = arith.constant 0.000000e+00 : f32
    %broadcast_in_dim3A_68 = vector.broadcast %broadcast_in_dim3A : f32 to vector<16xf32>
    %scan3A_69 = arith.constant 0 : i32
    %scan3A_70 = arith.constant 50 : i32
    %scan3A_71 = arith.addi %scan3A_69, %scan3A_70 : i32
    %scan3A_72 = arith.constant 1 : i32
    %scan3A_73:8 = scf.for %scan3A_201 = %scan3A_69 to %scan3A_71 step %scan3A_72 iter_args(%scan3A_202 = %broadcast_in_dim3A_68, %scan3A_203 = %broadcast_in_dim3A_68, %scan3A_204 = %broadcast_in_dim3A_68, %scan3A_205 = %broadcast_in_dim3A_68, %scan3A_206 = %broadcast_in_dim3A_68, %scan3A_207 = %broadcast_in_dim3A_68, %scan3A_208 = %broadcast_in_dim3A_68, %scan3A_209 = %broadcast_in_dim3A_68) -> (vector<16xf32>, vector<16xf32>, vector<16xf32>, vector<16xf32>, vector<16xf32>, vector<16xf32>, vector<16xf32>, vector<16xf32>)  : i32 {
      %add3A_210 = arith.constant 0 : i32
      %add3A_211 = arith.addi %add3A_210, %scan3A_201 : i32
      %get3A = arith.index_cast %add3A_211 : i32 to index
      %get3A_212 = arith.constant 0 : index
      %get3A_213 = tpu.vector_load %arg11[%get3A, %get3A_212] {strides = array<i32>} : memref<100x64xf32, #tpu.memory_space<vmem>>, vector<1x16xf32>,
      %get3A_214 = vector.shape_cast %get3A_213 : vector<1x16xf32> to vector<16xf32>
      %get3A_215 = arith.index_cast %add3A_211 : i32 to index
      %get3A_216 = arith.constant 0 : index
      %get3A_217 = tpu.vector_load %arg13[%get3A_215, %get3A_216] {strides = array<i32>} : memref<100x64xf32, #tpu.memory_space<vmem>>, vector<1x16xf32>,
      %get3A_218 = vector.shape_cast %get3A_217 : vector<1x16xf32> to vector<16xf32>
      %mul3A_219 = arith.mulf %get3A_214, %get3A_218 : vector<16xf32>
      %get3A_220 = arith.index_cast %add3A_211 : i32 to index
      %get3A_221 = arith.constant 0 : index
      %get3A_222 = tpu.vector_load %arg15[%get3A_220, %get3A_221] {strides = array<i32>} : memref<100x64xf32, #tpu.memory_space<vmem>>, vector<1x16xf32>,
      %get3A_223 = vector.shape_cast %get3A_222 : vector<1x16xf32> to vector<16xf32>
      %mul3A_224 = arith.mulf %mul3A_219, %get3A_223 : vector<16xf32>
      %add3A_225 = arith.addf %scan3A_202, %mul3A_224 : vector<16xf32>
      %get3A_226 = arith.index_cast %add3A_211 : i32 to index
      %get3A_227 = arith.constant 16 : index
      %get3A_228 = tpu.vector_load %arg11[%get3A_226, %get3A_227] {strides = array<i32>} : memref<100x64xf32, #tpu.memory_space<vmem>>, vector<1x16xf32>,
      %get3A_229 = vector.shape_cast %get3A_228 : vector<1x16xf32> to vector<16xf32>
      %get3A_230 = arith.index_cast %add3A_211 : i32 to index
      %get3A_231 = arith.constant 16 : index
      %get3A_232 = tpu.vector_load %arg13[%get3A_230, %get3A_231] {strides = array<i32>} : memref<100x64xf32, #tpu.memory_space<vmem>>, vector<1x16xf32>,
      %get3A_233 = vector.shape_cast %get3A_232 : vector<1x16xf32> to vector<16xf32>
      %mul3A_234 = arith.mulf %get3A_229, %get3A_233 : vector<16xf32>
      %get3A_235 = arith.index_cast %add3A_211 : i32 to index
      %get3A_236 = arith.constant 16 : index
      %get3A_237 = tpu.vector_load %arg15[%get3A_235, %get3A_236] {strides = array<i32>} : memref<100x64xf32, #tpu.memory_space<vmem>>, vector<1x16xf32>,
      %get3A_238 = vector.shape_cast %get3A_237 : vector<1x16xf32> to vector<16xf32>
      %mul3A_239 = arith.mulf %mul3A_234, %get3A_238 : vector<16xf32>
      %add3A_240 = arith.addf %scan3A_203, %mul3A_239 : vector<16xf32>
      %get3A_241 = arith.index_cast %add3A_211 : i32 to index
      %get3A_242 = arith.constant 32 : index
      %get3A_243 = tpu.vector_load %arg11[%get3A_241, %get3A_242] {strides = array<i32>} : memref<100x64xf32, #tpu.memory_space<vmem>>, vector<1x16xf32>,
      %get3A_244 = vector.shape_cast %get3A_243 : vector<1x16xf32> to vector<16xf32>
      %get3A_245 = arith.index_cast %add3A_211 : i32 to index
      %get3A_246 = arith.constant 32 : index
      %get3A_247 = tpu.vector_load %arg13[%get3A_245, %get3A_246] {strides = array<i32>} : memref<100x64xf32, #tpu.memory_space<vmem>>, vector<1x16xf32>,
      %get3A_248 = vector.shape_cast %get3A_247 : vector<1x16xf32> to vector<16xf32>
      %mul3A_249 = arith.mulf %get3A_244, %get3A_248 : vector<16xf32>
      %get3A_250 = arith.index_cast %add3A_211 : i32 to index
      %get3A_251 = arith.constant 32 : index
      %get3A_252 = tpu.vector_load %arg15[%get3A_250, %get3A_251] {strides = array<i32>} : memref<100x64xf32, #tpu.memory_space<vmem>>, vector<1x16xf32>,
      %get3A_253 = vector.shape_cast %get3A_252 : vector<1x16xf32> to vector<16xf32>
      %mul3A_254 = arith.mulf %mul3A_249, %get3A_253 : vector<16xf32>
      %add3A_255 = arith.addf %scan3A_204, %mul3A_254 : vector<16xf32>
      %get3A_256 = arith.index_cast %add3A_211 : i32 to index
      %get3A_257 = arith.constant 48 : index
      %get3A_258 = tpu.vector_load %arg11[%get3A_256, %get3A_257] {strides = array<i32>} : memref<100x64xf32, #tpu.memory_space<vmem>>, vector<1x16xf32>,
      %get3A_259 = vector.shape_cast %get3A_258 : vector<1x16xf32> to vector<16xf32>
      %get3A_260 = arith.index_cast %add3A_211 : i32 to index
      %get3A_261 = arith.constant 48 : index
      %get3A_262 = tpu.vector_load %arg13[%get3A_260, %get3A_261] {strides = array<i32>} : memref<100x64xf32, #tpu.memory_space<vmem>>, vector<1x16xf32>,
      %get3A_263 = vector.shape_cast %get3A_262 : vector<1x16xf32> to vector<16xf32>
      %mul3A_264 = arith.mulf %get3A_259, %get3A_263 : vector<16xf32>
      %get3A_265 = arith.index_cast %add3A_211 : i32 to index
      %get3A_266 = arith.constant 48 : index
      %get3A_267 = tpu.vector_load %arg15[%get3A_265, %get3A_266] {strides = array<i32>} : memref<100x64xf32, #tpu.memory_space<vmem>>, vector<1x16xf32>,
      %get3A_268 = vector.shape_cast %get3A_267 : vector<1x16xf32> to vector<16xf32>
      %mul3A_269 = arith.mulf %mul3A_264, %get3A_268 : vector<16xf32>
      %add3A_270 = arith.addf %scan3A_205, %mul3A_269 : vector<16xf32>
      %add3A_271 = arith.constant 50 : i32
      %add3A_272 = arith.addi %add3A_271, %scan3A_201 : i32
      %get3A_273 = arith.index_cast %add3A_272 : i32 to index
      %get3A_274 = arith.constant 0 : index
      %get3A_275 = tpu.vector_load %arg11[%get3A_273, %get3A_274] {strides = array<i32>} : memref<100x64xf32, #tpu.memory_space<vmem>>, vector<1x16xf32>,
      %get3A_276 = vector.shape_cast %get3A_275 : vector<1x16xf32> to vector<16xf32>
      %get3A_277 = arith.index_cast %add3A_272 : i32 to index
      %get3A_278 = arith.constant 0 : index
      %get3A_279 = tpu.vector_load %arg13[%get3A_277, %get3A_278] {strides = array<i32>} : memref<100x64xf32, #tpu.memory_space<vmem>>, vector<1x16xf32>,
      %get3A_280 = vector.shape_cast %get3A_279 : vector<1x16xf32> to vector<16xf32>
      %mul3A_281 = arith.mulf %get3A_276, %get3A_280 : vector<16xf32>
      %get3A_282 = arith.index_cast %add3A_272 : i32 to index
      %get3A_283 = arith.constant 0 : index
      %get3A_284 = tpu.vector_load %arg15[%get3A_282, %get3A_283] {strides = array<i32>} : memref<100x64xf32, #tpu.memory_space<vmem>>, vector<1x16xf32>,
      %get3A_285 = vector.shape_cast %get3A_284 : vector<1x16xf32> to vector<16xf32>
      %mul3A_286 = arith.mulf %mul3A_281, %get3A_285 : vector<16xf32>
      %add3A_287 = arith.addf %scan3A_206, %mul3A_286 : vector<16xf32>
      %get3A_288 = arith.index_cast %add3A_272 : i32 to index
      %get3A_289 = arith.constant 16 : index
      %get3A_290 = tpu.vector_load %arg11[%get3A_288, %get3A_289] {strides = array<i32>} : memref<100x64xf32, #tpu.memory_space<vmem>>, vector<1x16xf32>,
      %get3A_291 = vector.shape_cast %get3A_290 : vector<1x16xf32> to vector<16xf32>
      %get3A_292 = arith.index_cast %add3A_272 : i32 to index
      %get3A_293 = arith.constant 16 : index
      %get3A_294 = tpu.vector_load %arg13[%get3A_292, %get3A_293] {strides = array<i32>} : memref<100x64xf32, #tpu.memory_space<vmem>>, vector<1x16xf32>,
      %get3A_295 = vector.shape_cast %get3A_294 : vector<1x16xf32> to vector<16xf32>
      %mul3A_296 = arith.mulf %get3A_291, %get3A_295 : vector<16xf32>
      %get3A_297 = arith.index_cast %add3A_272 : i32 to index
      %get3A_298 = arith.constant 16 : index
      %get3A_299 = tpu.vector_load %arg15[%get3A_297, %get3A_298] {strides = array<i32>} : memref<100x64xf32, #tpu.memory_space<vmem>>, vector<1x16xf32>,
      %get3A_300 = vector.shape_cast %get3A_299 : vector<1x16xf32> to vector<16xf32>
      %mul3A_301 = arith.mulf %mul3A_296, %get3A_300 : vector<16xf32>
      %add3A_302 = arith.addf %scan3A_207, %mul3A_301 : vector<16xf32>
      %get3A_303 = arith.index_cast %add3A_272 : i32 to index
      %get3A_304 = arith.constant 32 : index
      %get3A_305 = tpu.vector_load %arg11[%get3A_303, %get3A_304] {strides = array<i32>} : memref<100x64xf32, #tpu.memory_space<vmem>>, vector<1x16xf32>,
      %get3A_306 = vector.shape_cast %get3A_305 : vector<1x16xf32> to vector<16xf32>
      %get3A_307 = arith.index_cast %add3A_272 : i32 to index
      %get3A_308 = arith.constant 32 : index
      %get3A_309 = tpu.vector_load %arg13[%get3A_307, %get3A_308] {strides = array<i32>} : memref<100x64xf32, #tpu.memory_space<vmem>>, vector<1x16xf32>,
      %get3A_310 = vector.shape_cast %get3A_309 : vector<1x16xf32> to vector<16xf32>
      %mul3A_311 = arith.mulf %get3A_306, %get3A_310 : vector<16xf32>
      %get3A_312 = arith.index_cast %add3A_272 : i32 to index
      %get3A_313 = arith.constant 32 : index
      %get3A_314 = tpu.vector_load %arg15[%get3A_312, %get3A_313] {strides = array<i32>} : memref<100x64xf32, #tpu.memory_space<vmem>>, vector<1x16xf32>,
      %get3A_315 = vector.shape_cast %get3A_314 : vector<1x16xf32> to vector<16xf32>
      %mul3A_316 = arith.mulf %mul3A_311, %get3A_315 : vector<16xf32>
      %add3A_317 = arith.addf %scan3A_208, %mul3A_316 : vector<16xf32>
      %get3A_318 = arith.index_cast %add3A_272 : i32 to index
      %get3A_319 = arith.constant 48 : index
      %get3A_320 = tpu.vector_load %arg11[%get3A_318, %get3A_319] {strides = array<i32>} : memref<100x64xf32, #tpu.memory_space<vmem>>, vector<1x16xf32>,
      %get3A_321 = vector.shape_cast %get3A_320 : vector<1x16xf32> to vector<16xf32>
      %get3A_322 = arith.index_cast %add3A_272 : i32 to index
      %get3A_323 = arith.constant 48 : index
      %get3A_324 = tpu.vector_load %arg13[%get3A_322, %get3A_323] {strides = array<i32>} : memref<100x64xf32, #tpu.memory_space<vmem>>, vector<1x16xf32>,
      %get3A_325 = vector.shape_cast %get3A_324 : vector<1x16xf32> to vector<16xf32>
      %mul3A_326 = arith.mulf %get3A_321, %get3A_325 : vector<16xf32>
      %get3A_327 = arith.index_cast %add3A_272 : i32 to index
      %get3A_328 = arith.constant 48 : index
      %get3A_329 = tpu.vector_load %arg15[%get3A_327, %get3A_328] {strides = array<i32>} : memref<100x64xf32, #tpu.memory_space<vmem>>, vector<1x16xf32>,
      %get3A_330 = vector.shape_cast %get3A_329 : vector<1x16xf32> to vector<16xf32>
      %mul3A_331 = arith.mulf %mul3A_326, %get3A_330 : vector<16xf32>
      %add3A_332 = arith.addf %scan3A_209, %mul3A_331 : vector<16xf32>
      scf.yield %add3A_225, %add3A_240, %add3A_255, %add3A_270, %add3A_287, %add3A_302, %add3A_317, %add3A_332 : vector<16xf32>, vector<16xf32>, vector<16xf32>, vector<16xf32>, vector<16xf32>, vector<16xf32>, vector<16xf32>, vector<16xf32>
    }
    %scan3A_74 = arith.constant 50 : i32
    %swap3A = arith.constant 124 : i32
    %swap3A_75 = arith.index_cast %swap3A : i32 to index
    %swap3A_76 = arith.constant 0 : index
    %swap3A_77 = tpu.vector_load %arg17[%swap3A_75, %swap3A_76] {strides = array<i32>} : memref<128x64xf32, #tpu.memory_space<vmem>>, vector<1x16xf32>,
    %swap3A_78 = vector.shape_cast %swap3A_77 : vector<1x16xf32> to vector<16xf32>
    %swap3A_79 = vector.shape_cast %scan3A_73#0 : vector<16xf32> to vector<1x16xf32>
    tpu.vector_store %arg17[%swap3A_75, %swap3A_76], %swap3A_79 {strides = array<i32>} : memref<128x64xf32, #tpu.memory_space<vmem>>, vector<1x16xf32>,
    %swap3A_80 = arith.constant 124 : i32
    %swap3A_81 = arith.index_cast %swap3A_80 : i32 to index
    %swap3A_82 = arith.constant 16 : index
    %swap3A_83 = tpu.vector_load %arg17[%swap3A_81, %swap3A_82] {strides = array<i32>} : memref<128x64xf32, #tpu.memory_space<vmem>>, vector<1x16xf32>,
    %swap3A_84 = vector.shape_cast %swap3A_83 : vector<1x16xf32> to vector<16xf32>
    %swap3A_85 = vector.shape_cast %scan3A_73#1 : vector<16xf32> to vector<1x16xf32>
    tpu.vector_store %arg17[%swap3A_81, %swap3A_82], %swap3A_85 {strides = array<i32>} : memref<128x64xf32, #tpu.memory_space<vmem>>, vector<1x16xf32>,
    %swap3A_86 = arith.constant 124 : i32
    %swap3A_87 = arith.index_cast %swap3A_86 : i32 to index
    %swap3A_88 = arith.constant 32 : index
    %swap3A_89 = tpu.vector_load %arg17[%swap3A_87, %swap3A_88] {strides = array<i32>} : memref<128x64xf32, #tpu.memory_space<vmem>>, vector<1x16xf32>,
    %swap3A_90 = vector.shape_cast %swap3A_89 : vector<1x16xf32> to vector<16xf32>
    %swap3A_91 = vector.shape_cast %scan3A_73#2 : vector<16xf32> to vector<1x16xf32>
    tpu.vector_store %arg17[%swap3A_87, %swap3A_88], %swap3A_91 {strides = array<i32>} : memref<128x64xf32, #tpu.memory_space<vmem>>, vector<1x16xf32>,
    %swap3A_92 = arith.constant 124 : i32
    %swap3A_93 = arith.index_cast %swap3A_92 : i32 to index
    %swap3A_94 = arith.constant 48 : index
    %swap3A_95 = tpu.vector_load %arg17[%swap3A_93, %swap3A_94] {strides = array<i32>} : memref<128x64xf32, #tpu.memory_space<vmem>>, vector<1x16xf32>,
    %swap3A_96 = vector.shape_cast %swap3A_95 : vector<1x16xf32> to vector<16xf32>
    %swap3A_97 = vector.shape_cast %scan3A_73#3 : vector<16xf32> to vector<1x16xf32>
    tpu.vector_store %arg17[%swap3A_93, %swap3A_94], %swap3A_97 {strides = array<i32>} : memref<128x64xf32, #tpu.memory_space<vmem>>, vector<1x16xf32>,
    %swap3A_98 = arith.constant 125 : i32
    %swap3A_99 = arith.index_cast %swap3A_98 : i32 to index
    %swap3A_100 = arith.constant 0 : index
    %swap3A_101 = tpu.vector_load %arg17[%swap3A_99, %swap3A_100] {strides = array<i32>} : memref<128x64xf32, #tpu.memory_space<vmem>>, vector<1x16xf32>,
    %swap3A_102 = vector.shape_cast %swap3A_101 : vector<1x16xf32> to vector<16xf32>
    %swap3A_103 = vector.shape_cast %scan3A_73#4 : vector<16xf32> to vector<1x16xf32>
    tpu.vector_store %arg17[%swap3A_99, %swap3A_100], %swap3A_103 {strides = array<i32>} : memref<128x64xf32, #tpu.memory_space<vmem>>, vector<1x16xf32>,
    %swap3A_104 = arith.constant 125 : i32
    %swap3A_105 = arith.index_cast %swap3A_104 : i32 to index
    %swap3A_106 = arith.constant 16 : index
    %swap3A_107 = tpu.vector_load %arg17[%swap3A_105, %swap3A_106] {strides = array<i32>} : memref<128x64xf32, #tpu.memory_space<vmem>>, vector<1x16xf32>,
    %swap3A_108 = vector.shape_cast %swap3A_107 : vector<1x16xf32> to vector<16xf32>
    %swap3A_109 = vector.shape_cast %scan3A_73#5 : vector<16xf32> to vector<1x16xf32>
    tpu.vector_store %arg17[%swap3A_105, %swap3A_106], %swap3A_109 {strides = array<i32>} : memref<128x64xf32, #tpu.memory_space<vmem>>, vector<1x16xf32>,
    %swap3A_110 = arith.constant 125 : i32
    %swap3A_111 = arith.index_cast %swap3A_110 : i32 to index
    %swap3A_112 = arith.constant 32 : index
    %swap3A_113 = tpu.vector_load %arg17[%swap3A_111, %swap3A_112] {strides = array<i32>} : memref<128x64xf32, #tpu.memory_space<vmem>>, vector<1x16xf32>,
    %swap3A_114 = vector.shape_cast %swap3A_113 : vector<1x16xf32> to vector<16xf32>
    %swap3A_115 = vector.shape_cast %scan3A_73#6 : vector<16xf32> to vector<1x16xf32>
    tpu.vector_store %arg17[%swap3A_111, %swap3A_112], %swap3A_115 {strides = array<i32>} : memref<128x64xf32, #tpu.memory_space<vmem>>, vector<1x16xf32>,
    %swap3A_116 = arith.constant 125 : i32
    %swap3A_117 = arith.index_cast %swap3A_116 : i32 to index
    %swap3A_118 = arith.constant 48 : index
    %swap3A_119 = tpu.vector_load %arg17[%swap3A_117, %swap3A_118] {strides = array<i32>} : memref<128x64xf32, #tpu.memory_space<vmem>>, vector<1x16xf32>,
    %swap3A_120 = vector.shape_cast %swap3A_119 : vector<1x16xf32> to vector<16xf32>
    %swap3A_121 = vector.shape_cast %scan3A_73#7 : vector<16xf32> to vector<1x16xf32>
    tpu.vector_store %arg17[%swap3A_117, %swap3A_118], %swap3A_121 {strides = array<i32>} : memref<128x64xf32, #tpu.memory_space<vmem>>, vector<1x16xf32>,
    %dma_wait3A_122 = arith.constant 63 : i32
    %dma_wait3A_123 = arith.constant 0 : i32
    %dma_wait3A_124 = tpu.memref_slice %arg8[%dma_wait3A_122, %dma_wait3A_123] : memref<64x100xi32, #tpu.memory_space<vmem>> -> memref<1x100xi32, #tpu.memory_space<vmem>>
    %dma_wait3A_125 = tpu.memref_squeeze %dma_wait3A_124 : memref<1x100xi32, #tpu.memory_space<vmem>> -> memref<100xi32, #tpu.memory_space<vmem>>
    %dma_wait3A_126 = arith.constant 0 : i32
    %dma_wait3A_127 = arith.constant 0 : i32
    %dma_wait3A_128 = tpu.memref_slice %arg6[%dma_wait3A_126, %dma_wait3A_127] : memref<1000x64xf32, #tpu.memory_space<hbm>> -> memref<1000x64xf32, #tpu.memory_space<hbm>>
    tpu.wait_indirect_dma semaphore(%arg19 : memref<!tpu.dma_semaphore, #tpu.memory_space<semaphore_mem>>) src(%dma_wait3A_128 : memref<1000x64xf32, #tpu.memory_space<hbm>>) dst(%arg12 : memref<100x64xf32, #tpu.memory_space<vmem>>)
    %dma_wait3A_129 = arith.constant 63 : i32
    %dma_wait3A_130 = arith.constant 0 : i32
    %dma_wait3A_131 = tpu.memref_slice %arg9[%dma_wait3A_129, %dma_wait3A_130] : memref<64x100xi32, #tpu.memory_space<vmem>> -> memref<1x100xi32, #tpu.memory_space<vmem>>
    %dma_wait3A_132 = tpu.memref_squeeze %dma_wait3A_131 : memref<1x100xi32, #tpu.memory_space<vmem>> -> memref<100xi32, #tpu.memory_space<vmem>>
    %dma_wait3A_133 = arith.constant 0 : i32
    %dma_wait3A_134 = arith.constant 0 : i32
    %dma_wait3A_135 = tpu.memref_slice %arg5[%dma_wait3A_133, %dma_wait3A_134] : memref<1000000x64xf32, #tpu.memory_space<hbm>> -> memref<1000000x64xf32, #tpu.memory_space<hbm>>
    tpu.wait_indirect_dma semaphore(%arg19 : memref<!tpu.dma_semaphore, #tpu.memory_space<semaphore_mem>>) src(%dma_wait3A_135 : memref<1000000x64xf32, #tpu.memory_space<hbm>>) dst(%arg14 : memref<100x64xf32, #tpu.memory_space<vmem>>)
    %dma_wait3A_136 = arith.constant 63 : i32
    %dma_wait3A_137 = arith.constant 0 : i32
    %dma_wait3A_138 = tpu.memref_slice %arg10[%dma_wait3A_136, %dma_wait3A_137] : memref<64x100xi32, #tpu.memory_space<vmem>> -> memref<1x100xi32, #tpu.memory_space<vmem>>
    %dma_wait3A_139 = tpu.memref_squeeze %dma_wait3A_138 : memref<1x100xi32, #tpu.memory_space<vmem>> -> memref<100xi32, #tpu.memory_space<vmem>>
    %dma_wait3A_140 = arith.constant 0 : i32
    %dma_wait3A_141 = arith.constant 0 : i32
    %dma_wait3A_142 = tpu.memref_slice %arg5[%dma_wait3A_140, %dma_wait3A_141] : memref<1000000x64xf32, #tpu.memory_space<hbm>> -> memref<1000000x64xf32, #tpu.memory_space<hbm>>
    tpu.wait_indirect_dma semaphore(%arg19 : memref<!tpu.dma_semaphore, #tpu.memory_space<semaphore_mem>>) src(%dma_wait3A_142 : memref<1000000x64xf32, #tpu.memory_space<hbm>>) dst(%arg16 : memref<100x64xf32, #tpu.memory_space<vmem>>)
    %broadcast_in_dim3A_143 = arith.constant 0.000000e+00 : f32
    %broadcast_in_dim3A_144 = vector.broadcast %broadcast_in_dim3A_143 : f32 to vector<16xf32>
    %scan3A_145 = arith.constant 0 : i32
    %scan3A_146 = arith.constant 50 : i32
    %scan3A_147 = arith.addi %scan3A_145, %scan3A_146 : i32
    %scan3A_148 = arith.constant 1 : i32
    %scan3A_149:8 = scf.for %scan3A_201 = %scan3A_145 to %scan3A_147 step %scan3A_148 iter_args(%scan3A_202 = %broadcast_in_dim3A_144, %scan3A_203 = %broadcast_in_dim3A_144, %scan3A_204 = %broadcast_in_dim3A_144, %scan3A_205 = %broadcast_in_dim3A_144, %scan3A_206 = %broadcast_in_dim3A_144, %scan3A_207 = %broadcast_in_dim3A_144, %scan3A_208 = %broadcast_in_dim3A_144, %scan3A_209 = %broadcast_in_dim3A_144) -> (vector<16xf32>, vector<16xf32>, vector<16xf32>, vector<16xf32>, vector<16xf32>, vector<16xf32>, vector<16xf32>, vector<16xf32>)  : i32 {
      %add3A_210 = arith.constant 0 : i32
      %add3A_211 = arith.addi %add3A_210, %scan3A_201 : i32
      %get3A = arith.index_cast %add3A_211 : i32 to index
      %get3A_212 = arith.constant 0 : index
      %get3A_213 = tpu.vector_load %arg12[%get3A, %get3A_212] {strides = array<i32>} : memref<100x64xf32, #tpu.memory_space<vmem>>, vector<1x16xf32>,
      %get3A_214 = vector.shape_cast %get3A_213 : vector<1x16xf32> to vector<16xf32>
      %get3A_215 = arith.index_cast %add3A_211 : i32 to index
      %get3A_216 = arith.constant 0 : index
      %get3A_217 = tpu.vector_load %arg14[%get3A_215, %get3A_216] {strides = array<i32>} : memref<100x64xf32, #tpu.memory_space<vmem>>, vector<1x16xf32>,
      %get3A_218 = vector.shape_cast %get3A_217 : vector<1x16xf32> to vector<16xf32>
      %mul3A_219 = arith.mulf %get3A_214, %get3A_218 : vector<16xf32>
      %get3A_220 = arith.index_cast %add3A_211 : i32 to index
      %get3A_221 = arith.constant 0 : index
      %get3A_222 = tpu.vector_load %arg16[%get3A_220, %get3A_221] {strides = array<i32>} : memref<100x64xf32, #tpu.memory_space<vmem>>, vector<1x16xf32>,
      %get3A_223 = vector.shape_cast %get3A_222 : vector<1x16xf32> to vector<16xf32>
      %mul3A_224 = arith.mulf %mul3A_219, %get3A_223 : vector<16xf32>
      %add3A_225 = arith.addf %scan3A_202, %mul3A_224 : vector<16xf32>
      %get3A_226 = arith.index_cast %add3A_211 : i32 to index
      %get3A_227 = arith.constant 16 : index
      %get3A_228 = tpu.vector_load %arg12[%get3A_226, %get3A_227] {strides = array<i32>} : memref<100x64xf32, #tpu.memory_space<vmem>>, vector<1x16xf32>,
      %get3A_229 = vector.shape_cast %get3A_228 : vector<1x16xf32> to vector<16xf32>
      %get3A_230 = arith.index_cast %add3A_211 : i32 to index
      %get3A_231 = arith.constant 16 : index
      %get3A_232 = tpu.vector_load %arg14[%get3A_230, %get3A_231] {strides = array<i32>} : memref<100x64xf32, #tpu.memory_space<vmem>>, vector<1x16xf32>,
      %get3A_233 = vector.shape_cast %get3A_232 : vector<1x16xf32> to vector<16xf32>
      %mul3A_234 = arith.mulf %get3A_229, %get3A_233 : vector<16xf32>
      %get3A_235 = arith.index_cast %add3A_211 : i32 to index
      %get3A_236 = arith.constant 16 : index
      %get3A_237 = tpu.vector_load %arg16[%get3A_235, %get3A_236] {strides = array<i32>} : memref<100x64xf32, #tpu.memory_space<vmem>>, vector<1x16xf32>,
      %get3A_238 = vector.shape_cast %get3A_237 : vector<1x16xf32> to vector<16xf32>
      %mul3A_239 = arith.mulf %mul3A_234, %get3A_238 : vector<16xf32>
      %add3A_240 = arith.addf %scan3A_203, %mul3A_239 : vector<16xf32>
      %get3A_241 = arith.index_cast %add3A_211 : i32 to index
      %get3A_242 = arith.constant 32 : index
      %get3A_243 = tpu.vector_load %arg12[%get3A_241, %get3A_242] {strides = array<i32>} : memref<100x64xf32, #tpu.memory_space<vmem>>, vector<1x16xf32>,
      %get3A_244 = vector.shape_cast %get3A_243 : vector<1x16xf32> to vector<16xf32>
      %get3A_245 = arith.index_cast %add3A_211 : i32 to index
      %get3A_246 = arith.constant 32 : index
      %get3A_247 = tpu.vector_load %arg14[%get3A_245, %get3A_246] {strides = array<i32>} : memref<100x64xf32, #tpu.memory_space<vmem>>, vector<1x16xf32>,
      %get3A_248 = vector.shape_cast %get3A_247 : vector<1x16xf32> to vector<16xf32>
      %mul3A_249 = arith.mulf %get3A_244, %get3A_248 : vector<16xf32>
      %get3A_250 = arith.index_cast %add3A_211 : i32 to index
      %get3A_251 = arith.constant 32 : index
      %get3A_252 = tpu.vector_load %arg16[%get3A_250, %get3A_251] {strides = array<i32>} : memref<100x64xf32, #tpu.memory_space<vmem>>, vector<1x16xf32>,
      %get3A_253 = vector.shape_cast %get3A_252 : vector<1x16xf32> to vector<16xf32>
      %mul3A_254 = arith.mulf %mul3A_249, %get3A_253 : vector<16xf32>
      %add3A_255 = arith.addf %scan3A_204, %mul3A_254 : vector<16xf32>
      %get3A_256 = arith.index_cast %add3A_211 : i32 to index
      %get3A_257 = arith.constant 48 : index
      %get3A_258 = tpu.vector_load %arg12[%get3A_256, %get3A_257] {strides = array<i32>} : memref<100x64xf32, #tpu.memory_space<vmem>>, vector<1x16xf32>,
      %get3A_259 = vector.shape_cast %get3A_258 : vector<1x16xf32> to vector<16xf32>
      %get3A_260 = arith.index_cast %add3A_211 : i32 to index
      %get3A_261 = arith.constant 48 : index
      %get3A_262 = tpu.vector_load %arg14[%get3A_260, %get3A_261] {strides = array<i32>} : memref<100x64xf32, #tpu.memory_space<vmem>>, vector<1x16xf32>,
      %get3A_263 = vector.shape_cast %get3A_262 : vector<1x16xf32> to vector<16xf32>
      %mul3A_264 = arith.mulf %get3A_259, %get3A_263 : vector<16xf32>
      %get3A_265 = arith.index_cast %add3A_211 : i32 to index
      %get3A_266 = arith.constant 48 : index
      %get3A_267 = tpu.vector_load %arg16[%get3A_265, %get3A_266] {strides = array<i32>} : memref<100x64xf32, #tpu.memory_space<vmem>>, vector<1x16xf32>,
      %get3A_268 = vector.shape_cast %get3A_267 : vector<1x16xf32> to vector<16xf32>
      %mul3A_269 = arith.mulf %mul3A_264, %get3A_268 : vector<16xf32>
      %add3A_270 = arith.addf %scan3A_205, %mul3A_269 : vector<16xf32>
      %add3A_271 = arith.constant 50 : i32
      %add3A_272 = arith.addi %add3A_271, %scan3A_201 : i32
      %get3A_273 = arith.index_cast %add3A_272 : i32 to index
      %get3A_274 = arith.constant 0 : index
      %get3A_275 = tpu.vector_load %arg12[%get3A_273, %get3A_274] {strides = array<i32>} : memref<100x64xf32, #tpu.memory_space<vmem>>, vector<1x16xf32>,
      %get3A_276 = vector.shape_cast %get3A_275 : vector<1x16xf32> to vector<16xf32>
      %get3A_277 = arith.index_cast %add3A_272 : i32 to index
      %get3A_278 = arith.constant 0 : index
      %get3A_279 = tpu.vector_load %arg14[%get3A_277, %get3A_278] {strides = array<i32>} : memref<100x64xf32, #tpu.memory_space<vmem>>, vector<1x16xf32>,
      %get3A_280 = vector.shape_cast %get3A_279 : vector<1x16xf32> to vector<16xf32>
      %mul3A_281 = arith.mulf %get3A_276, %get3A_280 : vector<16xf32>
      %get3A_282 = arith.index_cast %add3A_272 : i32 to index
      %get3A_283 = arith.constant 0 : index
      %get3A_284 = tpu.vector_load %arg16[%get3A_282, %get3A_283] {strides = array<i32>} : memref<100x64xf32, #tpu.memory_space<vmem>>, vector<1x16xf32>,
      %get3A_285 = vector.shape_cast %get3A_284 : vector<1x16xf32> to vector<16xf32>
      %mul3A_286 = arith.mulf %mul3A_281, %get3A_285 : vector<16xf32>
      %add3A_287 = arith.addf %scan3A_206, %mul3A_286 : vector<16xf32>
      %get3A_288 = arith.index_cast %add3A_272 : i32 to index
      %get3A_289 = arith.constant 16 : index
      %get3A_290 = tpu.vector_load %arg12[%get3A_288, %get3A_289] {strides = array<i32>} : memref<100x64xf32, #tpu.memory_space<vmem>>, vector<1x16xf32>,
      %get3A_291 = vector.shape_cast %get3A_290 : vector<1x16xf32> to vector<16xf32>
      %get3A_292 = arith.index_cast %add3A_272 : i32 to index
      %get3A_293 = arith.constant 16 : index
      %get3A_294 = tpu.vector_load %arg14[%get3A_292, %get3A_293] {strides = array<i32>} : memref<100x64xf32, #tpu.memory_space<vmem>>, vector<1x16xf32>,
      %get3A_295 = vector.shape_cast %get3A_294 : vector<1x16xf32> to vector<16xf32>
      %mul3A_296 = arith.mulf %get3A_291, %get3A_295 : vector<16xf32>
      %get3A_297 = arith.index_cast %add3A_272 : i32 to index
      %get3A_298 = arith.constant 16 : index
      %get3A_299 = tpu.vector_load %arg16[%get3A_297, %get3A_298] {strides = array<i32>} : memref<100x64xf32, #tpu.memory_space<vmem>>, vector<1x16xf32>,
      %get3A_300 = vector.shape_cast %get3A_299 : vector<1x16xf32> to vector<16xf32>
      %mul3A_301 = arith.mulf %mul3A_296, %get3A_300 : vector<16xf32>
      %add3A_302 = arith.addf %scan3A_207, %mul3A_301 : vector<16xf32>
      %get3A_303 = arith.index_cast %add3A_272 : i32 to index
      %get3A_304 = arith.constant 32 : index
      %get3A_305 = tpu.vector_load %arg12[%get3A_303, %get3A_304] {strides = array<i32>} : memref<100x64xf32, #tpu.memory_space<vmem>>, vector<1x16xf32>,
      %get3A_306 = vector.shape_cast %get3A_305 : vector<1x16xf32> to vector<16xf32>
      %get3A_307 = arith.index_cast %add3A_272 : i32 to index
      %get3A_308 = arith.constant 32 : index
      %get3A_309 = tpu.vector_load %arg14[%get3A_307, %get3A_308] {strides = array<i32>} : memref<100x64xf32, #tpu.memory_space<vmem>>, vector<1x16xf32>,
      %get3A_310 = vector.shape_cast %get3A_309 : vector<1x16xf32> to vector<16xf32>
      %mul3A_311 = arith.mulf %get3A_306, %get3A_310 : vector<16xf32>
      %get3A_312 = arith.index_cast %add3A_272 : i32 to index
      %get3A_313 = arith.constant 32 : index
      %get3A_314 = tpu.vector_load %arg16[%get3A_312, %get3A_313] {strides = array<i32>} : memref<100x64xf32, #tpu.memory_space<vmem>>, vector<1x16xf32>,
      %get3A_315 = vector.shape_cast %get3A_314 : vector<1x16xf32> to vector<16xf32>
      %mul3A_316 = arith.mulf %mul3A_311, %get3A_315 : vector<16xf32>
      %add3A_317 = arith.addf %scan3A_208, %mul3A_316 : vector<16xf32>
      %get3A_318 = arith.index_cast %add3A_272 : i32 to index
      %get3A_319 = arith.constant 48 : index
      %get3A_320 = tpu.vector_load %arg12[%get3A_318, %get3A_319] {strides = array<i32>} : memref<100x64xf32, #tpu.memory_space<vmem>>, vector<1x16xf32>,
      %get3A_321 = vector.shape_cast %get3A_320 : vector<1x16xf32> to vector<16xf32>
      %get3A_322 = arith.index_cast %add3A_272 : i32 to index
      %get3A_323 = arith.constant 48 : index
      %get3A_324 = tpu.vector_load %arg14[%get3A_322, %get3A_323] {strides = array<i32>} : memref<100x64xf32, #tpu.memory_space<vmem>>, vector<1x16xf32>,
      %get3A_325 = vector.shape_cast %get3A_324 : vector<1x16xf32> to vector<16xf32>
      %mul3A_326 = arith.mulf %get3A_321, %get3A_325 : vector<16xf32>
      %get3A_327 = arith.index_cast %add3A_272 : i32 to index
      %get3A_328 = arith.constant 48 : index
      %get3A_329 = tpu.vector_load %arg16[%get3A_327, %get3A_328] {strides = array<i32>} : memref<100x64xf32, #tpu.memory_space<vmem>>, vector<1x16xf32>,
      %get3A_330 = vector.shape_cast %get3A_329 : vector<1x16xf32> to vector<16xf32>
      %mul3A_331 = arith.mulf %mul3A_326, %get3A_330 : vector<16xf32>
      %add3A_332 = arith.addf %scan3A_209, %mul3A_331 : vector<16xf32>
      scf.yield %add3A_225, %add3A_240, %add3A_255, %add3A_270, %add3A_287, %add3A_302, %add3A_317, %add3A_332 : vector<16xf32>, vector<16xf32>, vector<16xf32>, vector<16xf32>, vector<16xf32>, vector<16xf32>, vector<16xf32>, vector<16xf32>
    }
    %scan3A_150 = arith.constant 50 : i32
    %swap3A_151 = arith.constant 126 : i32
    %swap3A_152 = arith.index_cast %swap3A_151 : i32 to index
    %swap3A_153 = arith.constant 0 : index
    %swap3A_154 = tpu.vector_load %arg17[%swap3A_152, %swap3A_153] {strides = array<i32>} : memref<128x64xf32, #tpu.memory_space<vmem>>, vector<1x16xf32>,
    %swap3A_155 = vector.shape_cast %swap3A_154 : vector<1x16xf32> to vector<16xf32>
    %swap3A_156 = vector.shape_cast %scan3A_149#0 : vector<16xf32> to vector<1x16xf32>
    tpu.vector_store %arg17[%swap3A_152, %swap3A_153], %swap3A_156 {strides = array<i32>} : memref<128x64xf32, #tpu.memory_space<vmem>>, vector<1x16xf32>,
    %swap3A_157 = arith.constant 126 : i32
    %swap3A_158 = arith.index_cast %swap3A_157 : i32 to index
    %swap3A_159 = arith.constant 16 : index
    %swap3A_160 = tpu.vector_load %arg17[%swap3A_158, %swap3A_159] {strides = array<i32>} : memref<128x64xf32, #tpu.memory_space<vmem>>, vector<1x16xf32>,
    %swap3A_161 = vector.shape_cast %swap3A_160 : vector<1x16xf32> to vector<16xf32>
    %swap3A_162 = vector.shape_cast %scan3A_149#1 : vector<16xf32> to vector<1x16xf32>
    tpu.vector_store %arg17[%swap3A_158, %swap3A_159], %swap3A_162 {strides = array<i32>} : memref<128x64xf32, #tpu.memory_space<vmem>>, vector<1x16xf32>,
    %swap3A_163 = arith.constant 126 : i32
    %swap3A_164 = arith.index_cast %swap3A_163 : i32 to index
    %swap3A_165 = arith.constant 32 : index
    %swap3A_166 = tpu.vector_load %arg17[%swap3A_164, %swap3A_165] {strides = array<i32>} : memref<128x64xf32, #tpu.memory_space<vmem>>, vector<1x16xf32>,
    %swap3A_167 = vector.shape_cast %swap3A_166 : vector<1x16xf32> to vector<16xf32>
    %swap3A_168 = vector.shape_cast %scan3A_149#2 : vector<16xf32> to vector<1x16xf32>
    tpu.vector_store %arg17[%swap3A_164, %swap3A_165], %swap3A_168 {strides = array<i32>} : memref<128x64xf32, #tpu.memory_space<vmem>>, vector<1x16xf32>,
    %swap3A_169 = arith.constant 126 : i32
    %swap3A_170 = arith.index_cast %swap3A_169 : i32 to index
    %swap3A_171 = arith.constant 48 : index
    %swap3A_172 = tpu.vector_load %arg17[%swap3A_170, %swap3A_171] {strides = array<i32>} : memref<128x64xf32, #tpu.memory_space<vmem>>, vector<1x16xf32>,
    %swap3A_173 = vector.shape_cast %swap3A_172 : vector<1x16xf32> to vector<16xf32>
    %swap3A_174 = vector.shape_cast %scan3A_149#3 : vector<16xf32> to vector<1x16xf32>
    tpu.vector_store %arg17[%swap3A_170, %swap3A_171], %swap3A_174 {strides = array<i32>} : memref<128x64xf32, #tpu.memory_space<vmem>>, vector<1x16xf32>,
    %swap3A_175 = arith.constant 127 : i32
    %swap3A_176 = arith.index_cast %swap3A_175 : i32 to index
    %swap3A_177 = arith.constant 0 : index
    %swap3A_178 = tpu.vector_load %arg17[%swap3A_176, %swap3A_177] {strides = array<i32>} : memref<128x64xf32, #tpu.memory_space<vmem>>, vector<1x16xf32>,
    %swap3A_179 = vector.shape_cast %swap3A_178 : vector<1x16xf32> to vector<16xf32>
    %swap3A_180 = vector.shape_cast %scan3A_149#4 : vector<16xf32> to vector<1x16xf32>
    tpu.vector_store %arg17[%swap3A_176, %swap3A_177], %swap3A_180 {strides = array<i32>} : memref<128x64xf32, #tpu.memory_space<vmem>>, vector<1x16xf32>,
    %swap3A_181 = arith.constant 127 : i32
    %swap3A_182 = arith.index_cast %swap3A_181 : i32 to index
    %swap3A_183 = arith.constant 16 : index
    %swap3A_184 = tpu.vector_load %arg17[%swap3A_182, %swap3A_183] {strides = array<i32>} : memref<128x64xf32, #tpu.memory_space<vmem>>, vector<1x16xf32>,
    %swap3A_185 = vector.shape_cast %swap3A_184 : vector<1x16xf32> to vector<16xf32>
    %swap3A_186 = vector.shape_cast %scan3A_149#5 : vector<16xf32> to vector<1x16xf32>
    tpu.vector_store %arg17[%swap3A_182, %swap3A_183], %swap3A_186 {strides = array<i32>} : memref<128x64xf32, #tpu.memory_space<vmem>>, vector<1x16xf32>,
    %swap3A_187 = arith.constant 127 : i32
    %swap3A_188 = arith.index_cast %swap3A_187 : i32 to index
    %swap3A_189 = arith.constant 32 : index
    %swap3A_190 = tpu.vector_load %arg17[%swap3A_188, %swap3A_189] {strides = array<i32>} : memref<128x64xf32, #tpu.memory_space<vmem>>, vector<1x16xf32>,
    %swap3A_191 = vector.shape_cast %swap3A_190 : vector<1x16xf32> to vector<16xf32>
    %swap3A_192 = vector.shape_cast %scan3A_149#6 : vector<16xf32> to vector<1x16xf32>
    tpu.vector_store %arg17[%swap3A_188, %swap3A_189], %swap3A_192 {strides = array<i32>} : memref<128x64xf32, #tpu.memory_space<vmem>>, vector<1x16xf32>,
    %swap3A_193 = arith.constant 127 : i32
    %swap3A_194 = arith.index_cast %swap3A_193 : i32 to index
    %swap3A_195 = arith.constant 48 : index
    %swap3A_196 = tpu.vector_load %arg17[%swap3A_194, %swap3A_195] {strides = array<i32>} : memref<128x64xf32, #tpu.memory_space<vmem>>, vector<1x16xf32>,
    %swap3A_197 = vector.shape_cast %swap3A_196 : vector<1x16xf32> to vector<16xf32>
    %swap3A_198 = vector.shape_cast %scan3A_149#7 : vector<16xf32> to vector<1x16xf32>
    tpu.vector_store %arg17[%swap3A_194, %swap3A_195], %swap3A_198 {strides = array<i32>} : memref<128x64xf32, #tpu.memory_space<vmem>>, vector<1x16xf32>,
    %mul3A_199 = arith.constant 128 : i32
    %mul3A_200 = arith.muli %add3A, %mul3A_199 : i32
    "tpu.region"() ({
      %run_scoped3A = tpu.sem_alloc : memref<!tpu.dma_semaphore, #tpu.memory_space<semaphore_mem>>
      %dma_start3A_201 = arith.constant 0 : i32
      %dma_start3A_202 = tpu.memref_slice %arg7[%mul3A_200, %dma_start3A_201] : memref<4096x64xf32, #tpu.memory_space<hbm>> -> memref<128x64xf32, #tpu.memory_space<hbm>>
      %dma_start3A_203 = arith.constant 0 : i32
      %dma_start3A_204 = tpu.memref_slice %arg7[%mul3A_200, %dma_start3A_203] : memref<4096x64xf32, #tpu.memory_space<hbm>> -> memref<128x64xf32, #tpu.memory_space<hbm>>
      tpu.enqueue_dma source(%arg17 : memref<128x64xf32, #tpu.memory_space<vmem>>) target(%dma_start3A_204 : memref<128x64xf32, #tpu.memory_space<hbm>>) target_semaphore(%run_scoped3A : memref<!tpu.dma_semaphore, #tpu.memory_space<semaphore_mem>>)
      %dma_wait3A_205 = arith.constant 0 : i32
      %dma_wait3A_206 = tpu.memref_slice %arg7[%mul3A_200, %dma_wait3A_205] : memref<4096x64xf32, #tpu.memory_space<hbm>> -> memref<128x64xf32, #tpu.memory_space<hbm>>
      %dma_wait3A_207 = arith.constant 0 : i32
      %dma_wait3A_208 = tpu.memref_slice %arg7[%mul3A_200, %dma_wait3A_207] : memref<4096x64xf32, #tpu.memory_space<hbm>> -> memref<128x64xf32, #tpu.memory_space<hbm>>
      tpu.wait_dma2 semaphore(%run_scoped3A : memref<!tpu.dma_semaphore, #tpu.memory_space<semaphore_mem>>) src(%arg17 : memref<128x64xf32, #tpu.memory_space<vmem>>) dst(%dma_wait3A_208 : memref<128x64xf32, #tpu.memory_space<hbm>>)
      tpu.yield
    }) : () -> ()
    return
  }
}

module attributes {stable_mosaic.version = 14 : i64} {
  func.func @_relayout_body(%arg0: i32, %arg1: memref<64x8192xf32, #tpu.memory_space<vmem>>, %arg2: memref<4096x128xf32, #tpu.memory_space<vmem>>) attributes {dimension_semantics = [#tpu.dimension_semantics<arbitrary>], iteration_bounds = array<i64: 1>, scalar_prefetch = 0 : i64, scratch_operands = 0 : i64, tpu.core_type = #tpu.core_type<tc>, window_params = [{transform_indices = @transform_0, window_bounds = array<i64: 64, 8192>}, {transform_indices = @transform_1, window_bounds = array<i64: 4096, 128>}]} {
    %get3A = arith.constant 0 : index
    %get3A_0 = arith.constant 0 : index
    %get3A_1 = vector.load %arg1[%get3A, %get3A_0] : memref<64x8192xf32, #tpu.memory_space<vmem>>, vector<64x8192xf32>
    %transpose3A = tpu.transpose %get3A_1, [1, 0] : vector<64x8192xf32> -> vector<8192x64xf32>
    %ne3A = arith.constant 0 : i32
    %ne3A_2 = arith.cmpi ne, %arg0, %ne3A : i32
    %convert_element_type3A = arith.extui %ne3A_2 : i1 to i32
    %cond3A = arith.constant 0 : i32
    %cond3A_3 = arith.cmpi ne, %convert_element_type3A, %cond3A : i32
    scf.if %cond3A_3 {
      %slice3A = vector.extract_strided_slice %transpose3A {offsets = [0, 0], sizes = [4096, 64], strides = [1, 1]} : vector<8192x64xf32> to vector<4096x64xf32>
      %swap3A = arith.constant 0 : index
      %swap3A_8 = arith.constant 0 : index
      %swap3A_9 = vector.load %arg2[%swap3A, %swap3A_8] : memref<4096x128xf32, #tpu.memory_space<vmem>>, vector<4096x64xf32>
      tpu.vector_store %arg2[%swap3A, %swap3A_8], %slice3A {strides = array<i32>} : memref<4096x128xf32, #tpu.memory_space<vmem>>, vector<4096x64xf32>,
      %slice3A_10 = vector.extract_strided_slice %transpose3A {offsets = [4096, 0], sizes = [4096, 64], strides = [1, 1]} : vector<8192x64xf32> to vector<4096x64xf32>
      %swap3A_11 = arith.constant 0 : index
      %swap3A_12 = arith.constant 64 : index
      %swap3A_13 = vector.load %arg2[%swap3A_11, %swap3A_12] : memref<4096x128xf32, #tpu.memory_space<vmem>>, vector<4096x64xf32>
      tpu.vector_store %arg2[%swap3A_11, %swap3A_12], %slice3A_10 {strides = array<i32>} : memref<4096x128xf32, #tpu.memory_space<vmem>>, vector<4096x64xf32>,
    } else {
    }
    %eq3A = arith.constant 0 : i32
    %eq3A_4 = arith.cmpi eq, %arg0, %eq3A : i32
    %convert_element_type3A_5 = arith.extui %eq3A_4 : i1 to i32
    %cond3A_6 = arith.constant 0 : i32
    %cond3A_7 = arith.cmpi ne, %convert_element_type3A_5, %cond3A_6 : i32
    scf.if %cond3A_7 {
      %slice3A = vector.extract_strided_slice %transpose3A {offsets = [0, 0], sizes = [4096, 64], strides = [1, 1]} : vector<8192x64xf32> to vector<4096x64xf32>
      %swap3A = arith.constant 0 : index
      %swap3A_8 = arith.constant 0 : index
      %swap3A_9 = vector.load %arg2[%swap3A, %swap3A_8] : memref<4096x128xf32, #tpu.memory_space<vmem>>, vector<4096x64xf32>
      tpu.vector_store %arg2[%swap3A, %swap3A_8], %slice3A {strides = array<i32>} : memref<4096x128xf32, #tpu.memory_space<vmem>>, vector<4096x64xf32>,
      %slice3A_10 = vector.extract_strided_slice %transpose3A {offsets = [500, 0], sizes = [4096, 64], strides = [1, 1]} : vector<8192x64xf32> to vector<4096x64xf32>
      %swap3A_11 = arith.constant 0 : index
      %swap3A_12 = arith.constant 64 : index
      %swap3A_13 = vector.load %arg2[%swap3A_11, %swap3A_12] : memref<4096x128xf32, #tpu.memory_space<vmem>>, vector<4096x64xf32>
      tpu.vector_store %arg2[%swap3A_11, %swap3A_12], %slice3A_10 {strides = array<i32>} : memref<4096x128xf32, #tpu.memory_space<vmem>>, vector<4096x64xf32>,
    } else {
    }
    return
  }
  func.func @transform_0(%arg0: i32) -> (i32, i32) {
    %c0_i32 = arith.constant 0 : i32
    %c0_i32_0 = arith.constant 0 : i32
    return %c0_i32, %arg0 : i32, i32
  }
  func.func @transform_1(%arg0: i32) -> (i32, i32) {
    %c0_i32 = arith.constant 0 : i32
    %c0_i32_0 = arith.constant 0 : i32
    return %arg0, %c0_i32 : i32, i32
  }
}

module attributes {stable_mosaic.version = 14 : i64} {
  func.func @_relayout_body(%arg0: i32, %arg1: memref<64x8192xf32, #tpu.memory_space<vmem>>, %arg2: memref<4096x128xf32, #tpu.memory_space<vmem>>) attributes {dimension_semantics = [#tpu.dimension_semantics<arbitrary>], iteration_bounds = array<i64: 123>, scalar_prefetch = 0 : i64, scratch_operands = 0 : i64, tpu.core_type = #tpu.core_type<tc>, window_params = [{transform_indices = @transform_0, window_bounds = array<i64: 64, 8192>}, {transform_indices = @transform_1, window_bounds = array<i64: 4096, 128>}]} {
    %get3A = arith.constant 0 : index
    %get3A_0 = arith.constant 0 : index
    %get3A_1 = vector.load %arg1[%get3A, %get3A_0] : memref<64x8192xf32, #tpu.memory_space<vmem>>, vector<64x8192xf32>
    %transpose3A = tpu.transpose %get3A_1, [1, 0] : vector<64x8192xf32> -> vector<8192x64xf32>
    %ne3A = arith.constant 122 : i32
    %ne3A_2 = arith.cmpi ne, %arg0, %ne3A : i32
    %convert_element_type3A = arith.extui %ne3A_2 : i1 to i32
    %cond3A = arith.constant 0 : i32
    %cond3A_3 = arith.cmpi ne, %convert_element_type3A, %cond3A : i32
    scf.if %cond3A_3 {
      %slice3A = vector.extract_strided_slice %transpose3A {offsets = [0, 0], sizes = [4096, 64], strides = [1, 1]} : vector<8192x64xf32> to vector<4096x64xf32>
      %swap3A = arith.constant 0 : index
      %swap3A_8 = arith.constant 0 : index
      %swap3A_9 = vector.load %arg2[%swap3A, %swap3A_8] : memref<4096x128xf32, #tpu.memory_space<vmem>>, vector<4096x64xf32>
      tpu.vector_store %arg2[%swap3A, %swap3A_8], %slice3A {strides = array<i32>} : memref<4096x128xf32, #tpu.memory_space<vmem>>, vector<4096x64xf32>,
      %slice3A_10 = vector.extract_strided_slice %transpose3A {offsets = [4096, 0], sizes = [4096, 64], strides = [1, 1]} : vector<8192x64xf32> to vector<4096x64xf32>
      %swap3A_11 = arith.constant 0 : index
      %swap3A_12 = arith.constant 64 : index
      %swap3A_13 = vector.load %arg2[%swap3A_11, %swap3A_12] : memref<4096x128xf32, #tpu.memory_space<vmem>>, vector<4096x64xf32>
      tpu.vector_store %arg2[%swap3A_11, %swap3A_12], %slice3A_10 {strides = array<i32>} : memref<4096x128xf32, #tpu.memory_space<vmem>>, vector<4096x64xf32>,
    } else {
    }
    %eq3A = arith.constant 122 : i32
    %eq3A_4 = arith.cmpi eq, %arg0, %eq3A : i32
    %convert_element_type3A_5 = arith.extui %eq3A_4 : i1 to i32
    %cond3A_6 = arith.constant 0 : i32
    %cond3A_7 = arith.cmpi ne, %convert_element_type3A_5, %cond3A_6 : i32
    scf.if %cond3A_7 {
      %slice3A = vector.extract_strided_slice %transpose3A {offsets = [0, 0], sizes = [4096, 64], strides = [1, 1]} : vector<8192x64xf32> to vector<4096x64xf32>
      %swap3A = arith.constant 0 : index
      %swap3A_8 = arith.constant 0 : index
      %swap3A_9 = vector.load %arg2[%swap3A, %swap3A_8] : memref<4096x128xf32, #tpu.memory_space<vmem>>, vector<4096x64xf32>
      tpu.vector_store %arg2[%swap3A, %swap3A_8], %slice3A {strides = array<i32>} : memref<4096x128xf32, #tpu.memory_space<vmem>>, vector<4096x64xf32>,
      %slice3A_10 = vector.extract_strided_slice %transpose3A {offsets = [288, 0], sizes = [4096, 64], strides = [1, 1]} : vector<8192x64xf32> to vector<4096x64xf32>
      %swap3A_11 = arith.constant 0 : index
      %swap3A_12 = arith.constant 64 : index
      %swap3A_13 = vector.load %arg2[%swap3A_11, %swap3A_12] : memref<4096x128xf32, #tpu.memory_space<vmem>>, vector<4096x64xf32>
      tpu.vector_store %arg2[%swap3A_11, %swap3A_12], %slice3A_10 {strides = array<i32>} : memref<4096x128xf32, #tpu.memory_space<vmem>>, vector<4096x64xf32>,
    } else {
    }
    return
  }
  func.func @transform_0(%arg0: i32) -> (i32, i32) {
    %c0_i32 = arith.constant 0 : i32
    %c0_i32_0 = arith.constant 0 : i32
    return %c0_i32, %arg0 : i32, i32
  }
  func.func @transform_1(%arg0: i32) -> (i32, i32) {
    %c0_i32 = arith.constant 0 : i32
    %c0_i32_0 = arith.constant 0 : i32
    return %arg0, %c0_i32 : i32, i32
  }
}

</mosaic_0001>

<sc_bundles>
// kernel: kernel.5.cloned.1.call-start
scs
__scs_entry_jumppad:
0x0: {  	(pc) =	sbr.rel $0x88, $3  }
0x1: {  	(tag) =	ssettag $0x0;
	lr =	simm.s32 $0x1  }
0x2: {  	[smem:$0x3F9C] =	sst lr;
	_ =	strace $0xD0000000  }
0x3: {  	_ = 	snop  }
0x4: {  	_ = 	snop  }
0x5: {  	_ = 	snop  }
0x6: {  	_ = 	snop  }
0x7: {  	_ = 	snop  }
__scs_overlays_trampoline_lowered:
0x8: {  	[smem:$0x3FAB] =	sst s0  }
0x9: {  	[smem:$0x3FAC] =	sst s1  }
0xa: {  	[smem:$0x3FAD] =	sst s2  }
0xb: {  	[smem:$0x3FAE] =	sst s3  }
0xc: {  	[smem:$0x3FAF] =	sst s4  }
0xd: {  	[smem:$0x3FB0] =	sst s5  }
0xe: {  	[smem:$0x3FB1] =	sst s6  }
0xf: {  	[smem:$0x3FB2] =	sst s7  }
0x10: {  	[smem:$0x3FB3] =	sst s8  }
0x11: {  	[smem:$0x3FB4] =	sst s9;
	s0 =	simm.s32 @!p0 $0x0  }
0x12: {  	s1 =	sld [smem:$0x3F9A];
	s0 =	simm.s32 @p0 $0x1  }
0x13: {  	[smem:$0x3FB5] =	sst s0;
	s0 =	simm.s32 @!p1 $0x0  }
0x14: {  	s2 =	sld [smem:$0x3F99];
	s0 =	simm.s32 @p1 $0x1  }
0x15: {  	[smem:$0x3FB6] =	sst s0;
	s0 =	simm.s32 @!p2 $0x0  }
0x16: {  	s3 =	sld [smem:$0x3FDB];
	s0 =	simm.s32 @p2 $0x1  }
0x17: {  	s4 =	simm.s32 $0x1BF5;
	[smem:$0x3FB8] =	sst s0  }
0x18: {  	s0 =	sld [smem:$0x3F9B];
	_ =	swait.ge [sflag:s4], $0x0  }
0x19: {  	s7 =	sld [smem:$0x3F9C]  }
0x1a: {  	s8 =	sadd.s32 $0xFFFFE003, lr  }
0x1b: {  	s9 =	sadd.s32 $0xFFFFFEF7, lr;
	s5 =	simm.s32 $0xFFFFFFFF;
	p2 =	slt.u32 s8, $0xFFFFF086  }
0x1c: {  	p1 =	slt.u32 s9, $0xF7A;
	s5 =	simm.s32 @!p2 $0x0  }
0x1d: {  	s5 =	simm.s32 @p1 $0x1;
	p0 =	seq.s32 s7, s2  }
0x1e: {  	s7 =	smul.u32 @!p0 $0xF7A, s2;
	p2 =	seq.s32 @!p0 s5, $0x0  }
0x1f: {  	s9 =	smul.u32 $0xF7A, s1;
	s8 =	simm.s32 @!p0 $0x1BF5;
	p2 =	por !p2, p0  }
0x20: {  	[sflag:s8] =	ssyncset.s32 @!p0 $0xFFFFF086;
	s6 =	sadd.s32 @!p0 s3, s7;
	s7 =	simm.s32 @!p0 $0x108  }
0x21: {  	s3 =	sadd.s32 s3, s9;
	s6 =	sadd.s32 @!p0 $0x88, s6;
	s7 =	simm.s32 @p2 $0x1082  }
0x22: {  	[simem:s7], [sflag:s8] =	dma.local @!p0 [hbm:s6], $0xF7A  }
0x23: {  	s9 =	sor.u32 $0xD0000000, s2;
	s6 =	simm.s32 $0x108;
	_ =	swait.ge @!p0 [sflag:s8], $0x0  }
0x24: {  	s3 =	sadd.s32 $0x88, s3;
	s6 =	simm.s32 @!p1 $0x1082;
	[sflag:s4] =	ssyncset.s32 $0xFFFFF086  }
0x25: {  	[simem:s6], [sflag:s4] =	dma.local [hbm:s3], $0xF7A  }
0x26: {  	[smem:$0x3F9C] =	sst s1;
	(tag) =	ssettag s2;
	_ =	strace s9  }
0x27: {  	s1 =	sld [smem:$0x3FAC]  }
0x28: {  	s2 =	sld [smem:$0x3FAD]  }
0x29: {  	s4 =	sld [smem:$0x3FAF]  }
0x2a: {  	p0 =	seq.s32 s5, $0x0;
	s5 =	sld [smem:$0x3FB0]  }
0x2b: {  	s6 =	sld [smem:$0x3FB1]  }
0x2c: {  	s7 =	sld [smem:$0x3FB2]  }
0x2d: {  	s3 =	simm.s32 $0x108;
	s8 =	sld [smem:$0x3FB3]  }
0x2e: {  	s3 =	simm.s32 @!p0 $0x1082;
	s9 =	sld [smem:$0x3FB4]  }
0x2f: {  	lr =	sadd.s32 s0, s3;
	s0 =	sld [smem:$0x3FAB]  }
0x30: {  	s3 =	sld [smem:$0x3FAE]  }
0x31: {  	[smem:$0x3FB7] =	sst s10  }
0x32: {  	s10 =	sld [smem:$0x3FB5];
	_ =	sdelay $0x3  }
0x33: {  	p0 =	seq.s32 s10, $0x1;
	s10 =	sld [smem:$0x3FB7];
	_ =	sdelay $0x3  }
0x34: {  	[smem:$0x3FB7] =	sst s10  }
0x35: {  	s10 =	sld [smem:$0x3FB6];
	_ =	sdelay $0x3  }
0x36: {  	p1 =	seq.s32 s10, $0x1;
	s10 =	sld [smem:$0x3FB7];
	_ =	sdelay $0x3  }
0x37: {  	[smem:$0x3FB7] =	sst s10  }
0x38: {  	s10 =	sld [smem:$0x3FB8]  }
0x39: {  	_ = 	snop;
	(pc) =	sbr.ind lr, $3  }
0x3a: {  	_ = 	snop  }
0x3b: {  	_ = 	snop  }
0x3c: {  	p2 =	seq.s32 s10, $0x1;
	s10 =	sld [smem:$0x3FB7]  }
0x3d: {  	_ =	shalt  }
0x3e: {  	_ =	shalt  }
0x3f: {  	_ =	shalt  }
0x40: {  	_ =	shalt  }
0x41: {  	_ =	shalt  }
0x42: {  	_ =	shalt  }
0x43: {  	_ =	shalt  }
0x44: {  	_ =	shalt  }
0x45: {  	_ =	shalt  }
0x46: {  	_ =	shalt  }
0x47: {  	_ =	shalt  }
0x48: {  	_ =	shalt  }
0x49: {  	_ =	shalt  }
0x4a: {  	_ =	shalt  }
0x4b: {  	_ =	shalt  }
0x4c: {  	_ =	shalt  }
0x4d: {  	_ =	shalt  }
0x4e: {  	_ =	shalt  }
0x4f: {  	_ =	shalt  }
0x50: {  	_ =	shalt  }
0x51: {  	_ =	shalt  }
0x52: {  	_ =	shalt  }
0x53: {  	_ =	shalt  }
0x54: {  	_ =	shalt  }
0x55: {  	_ =	shalt  }
0x56: {  	_ =	shalt  }
0x57: {  	_ =	shalt  }
0x58: {  	_ =	shalt  }
0x59: {  	_ =	shalt  }
0x5a: {  	_ =	shalt  }
0x5b: {  	_ =	shalt  }
0x5c: {  	_ =	shalt  }
0x5d: {  	_ =	shalt  }
0x5e: {  	_ =	shalt  }
0x5f: {  	_ =	shalt  }
0x60: {  	_ =	shalt  }
0x61: {  	_ =	shalt  }
0x62: {  	_ =	shalt  }
0x63: {  	_ =	shalt  }
0x64: {  	_ =	shalt  }
0x65: {  	_ =	shalt  }
0x66: {  	_ =	shalt  }
0x67: {  	_ =	shalt  }
0x68: {  	_ =	shalt  }
0x69: {  	_ =	shalt  }
0x6a: {  	_ =	shalt  }
0x6b: {  	_ =	shalt  }
0x6c: {  	_ =	shalt  }
0x6d: {  	_ =	shalt  }
0x6e: {  	_ =	shalt  }
0x6f: {  	_ =	shalt  }
0x70: {  	_ =	shalt  }
0x71: {  	_ =	shalt  }
0x72: {  	_ =	shalt  }
0x73: {  	_ =	shalt  }
0x74: {  	_ =	shalt  }
0x75: {  	_ =	shalt  }
0x76: {  	_ =	shalt  }
0x77: {  	_ =	shalt  }
0x78: {  	_ =	shalt  }
0x79: {  	_ =	shalt  }
0x7a: {  	_ =	shalt  }
0x7b: {  	_ =	shalt  }
0x7c: {  	_ =	shalt  }
0x7d: {  	_ =	shalt  }
0x7e: {  	_ =	shalt  }
0x7f: {  	_ =	shalt  }
0x80: {  	_ =	shalt  }
0x81: {  	_ =	shalt  }
0x82: {  	_ =	shalt  }
0x83: {  	_ =	shalt  }
0x84: {  	_ =	shalt  }
0x85: {  	_ =	shalt  }
0x86: {  	_ =	shalt  }
0x87: {  	_ =	shalt  }
.Lfunc_end0:
.L_simem_size_0:
called_computation_lowered:
.L_overlay_start_0:
0x88: {  	s2 =	sld [smem:$0x3FD9]  }
0x89: {  	s3 =	sld [smem:$0x3FFE];
	_ =	sdelay $0x1  }
0x8a: {  	s1 =	srdreg.scid  }
0x8b: {  	s0 =	sand.u32 $0x1, s1  }
0x8c: {  	s17 =	sshll.u32 s0, $0xA;
	s2 =	sadd.s32 s3, s2  }
0x8d: {  	s2 =	sadd.s32 s2, s17  }
0x8e: {  	[smem:$0x3FC3] =	sst s2  }
0x8f: {  	_ = 	snop  }
0x90: {  	s2 =	sld [smem:$0x3FD0];
	(tm) =	ssettm $0x1  }
0x91: {  	s18 =	sld [smem:$0x3FFB];
	_ =	sdelay $0x3  }
0x92: {  	_ =	strace s18  }
0x93: {  	s3 =	sld [smem:$0x3FFC];
	_ =	sdelay $0x3  }
0x94: {  	_ =	strace s3  }
0x95: {  	s3 =	sld [smem:$0x3FFD];
	_ =	sdelay $0x3  }
0x96: {  	_ =	strace s3  }
0x97: {  	_ =	strace $0x8FFFFFFF  }
0x98: {  	s19 =	sld [smem:$0x3FDB];
	_ =	sdelay $0x1  }
0x99: {  	s4 =	simm.s32 $_scs_section_size  }
0x9a: {  	s5 =	simm.s32 $_size__tile_overlayer_lowered;
	s6 =	simm.s32 $_tile_overlayer_lowered  }
0x9b: {  	s22 =	simm.s32 $0x1BFF;
	s21 =	sshll.u32 s6, $0x1;
	s3 =	sadd.s32 s4, s19  }
0x9c: {  	s7 =	simm.s32 $0x0;
	s20 =	sshll.u32 s5, $0x1;
	s5 =	sadd.s32 s21, s3  }
0x9d: {  	[timem:s7], [sflag:s22] =	dma.local [hbm:s5], s20  }
0x9e: {  	_ =	swait.ge [sflag:s22], s20  }
0x9f: {  	s4 =	ssub.s32 $0x0, s20;
	[sflag:s22] =	ssyncset.done $0x0  }
0xa0: {  	[sflag:s22] =	ssyncadd.s32 s4;
	_ =	sdelay $0x1  }
0xa1: {  	s23 =	simm.s32 $0x1B8B  }
0xa2: {  	_ =	swait.ge [sflag:s23], $0x1  }
0xa3: {  	[sflag:s23] =	ssyncset.done $0x0  }
0xa4: {  	s25 =	simm.s32 $0x1B8E;
	s24 =	sld [smem:$0x3FFE];
	[sflag:s23] =	ssyncadd.s32 $0xFFFFFFFF  }
0xa5: {  	s26 =	simm.s32 $execute0_lowered;
	[smem:$0x3FD2] =	sst s25  }
0xa6: {  	s5 =	sshll.u32 s26, $0x1;
	_ =	strace $0x80000046;
	[dreg:$0x1] =	wrdreg $0xFFFFFFFF  }
0xa7: {  	s28 =	simm.s32 $_size_execute0_lowered;
	s3 =	sadd.s32 s3, s5;
	[dreg:$0x0] =	wrdreg $0x0  }
0xa8: {  	s5 =	sshll.u32 s28, $0x1;
	[dreg:$0x2] =	wrdreg s3  }
0xa9: {  	[dreg:$0x3] =	wrdreg s5  }
0xaa: {  	[dreg:$0x4] =	wrdreg $0xC0  }
0xab: {  	_ =	task [dreg:s7], $0x5FFFF  }
0xac: {  	[dreg:$0x1] =	wrdreg $0xFFFFFFFF  }
0xad: {  	[dreg:$0x0] =	wrdreg $0x60  }
0xae: {  	[dreg:$0x2] =	wrdreg s24  }
0xaf: {  	[dreg:$0x3] =	wrdreg s2  }
0xb0: {  	[dreg:$0x4] =	wrdreg $0x9  }
0xb1: {  	_ =	task.clear_ibuf [dreg:s7], $0x5FFFF;
	_ =	strace $0x90000046  }
0xb2: {  	s29 =	simm.s32 $0x9;
	_ =	strace $0x80000048  }
0xb3: {  	_ =	swait.ge [sflag:s29], $0x1  }
0xb4: {  	[sflag:s29] =	ssyncadd.s32 $0xFFFFFFFF  }
0xb5: {  	_ =	strace $0x90000048  }
0xb6: {  	_ =	sfence  }
0xb7: {  	s30 =	sld [smem:$0x0];
	_ =	sdelay $0x2  }
0xb8: {  	s31 =	sshll.u32 s1, $0xD;
	s1 =	sshrl.u32 s1, $0x2  }
0xb9: {  	s3 =	sand.u32 $0x4000, s31;
	s1 =	sadd.s32 s1, s30  }
0xba: {  	s0 =	sor.u32 s3, s0;
	s1 =	sshll.u32 s1, $0x11  }
0xbb: {  	s0 =	sor.u32 s1, s0  }
0xbc: {  	s0 =	sadd.s32 $0x8F2B, s0  }
0xbd: {  	[sflag:s0] =	ssyncadd.remote.s32 $0x1  }
0xbe: {  	_ =	sfence.sel $0xFFFF  }
0xbf: {  	[dreg:$0x0] =	wrdreg $0xFFFFFFFF;
	(pc) =	sbr.abs _section_cstart, $3  }
0xc0: {  	[dreg:$0x1] =	wrdreg $0xFFFFFFFF  }
0xc1: {  	_ =	task.clear_ibuf [dreg:s7], $0x2FFFF;
	_ =	strace $0x9FFFFFFF  }
0xc2: {  	(tm) =	ssettm $0x7FFFFFFF  }
0xc3: {  	_ =	shalt  }
tec
execute0_lowered:
.L_overlay_start_1:
0x0: {  	(tag) =	ssettag $0x1  }
0x1: {  	s1 =	srdreg.scid;
	s4 =	rddreg [dreg:$0x0]  }
0x2: {  	s0 =	stileid.u32;
	s8 =	rddreg [dreg:$0x1]  }
0x3: {  	s10 =	simm.s32 $0x3;
	s11 =	simm.s32 $0x1A00;
	s12 =	simm.s32 $0x3400  }
0x4: {  	s13 =	simm.s32 $0x64;
	s14 =	simm.s32 $0x4E00;
	s15 =	simm.s32 $0x8000  }
0x5: {  	s16 =	simm.s32 $0xB200;
	s17 =	simm.s32 $0x68;
	s18 =	simm.s32 $0x6700  }
0x6: {  	s19 =	simm.s32 $0x1A68;
	s20 =	simm.s32 $0x9900;
	s21 =	simm.s32 $0x3468  }
0x7: {  	s22 =	simm.s32 $0xCB00;
	s23 =	simm.s32 $0x1;
	s24 =	simm.s32 $0x2  }
0x8: {  	s25 =	simm.s32 $0xE400;
	s1 =	sand.u32 $0x1, s1;
	s2 =	sshll.u32 s0, $0x1  }
0x9: {  	s26 =	simm.s32 $0x0;
	s6 =	sor.u32 s1, s2;
	s2 =	simm.s32 $0x0  }
0xa: {  	s1 =	ssub.s32 $0x2, s1;
	s3 =	smul.u32 $0x340, s6;
	[smem:$0x7FF] =	sst s2  }
0xb: {  	s5 =	sshrl.u32 s1, $0x1;
	s9 =	sshll.u32 s6, $0xA;
	_ =	strace $0x80000047  }
0xc: {  	s1 =	ssub.s32 s1, s5;
	s8 =	sadd.s32 s8, s9;
	s7 =	sadd.s32 s3, s4  }
0xd: {  	s3 =	sadd.s32 $0x16400, s4;
	s4 =	sadd.s32 $0xC00, s4;
	s9 =	smax.u32 s1, $0x1  }
0xe: {  	s5 =	sadd.s32 $0xFC00, s7;
	s6 =	sadd.s32 $0x9400, s7;
	s7 =	sadd.s32 $0x2C00, s7  }
.LBB2_1:
0xf: {  	[tilespmem:s2], [sflag:$0x3] =	stream.linear.gather [hbm4b:s5+s2], $0x1A00, $0x38;
	[tilespmem:$0x10400] =	vst v63  }
0x10: {  	_ =	swait.ge [sflag:s10], $0x1A00  }
0x11: {  	[sflag:s10] =	ssyncset.done $0x0  }
0x12: {  	[sflag:s10] =	ssyncadd.s32 $0xFFFFE600  }
0x13: {  	[tilespmem:s11], [sflag:$0x3] =	stream.linear.gather [hbm4b:s6+s2], $0x1A00, $0x38;
	[tilespmem:$0x10400] =	vst v63  }
0x14: {  	_ =	swait.ge [sflag:s10], $0x1A00  }
0x15: {  	[sflag:s10] =	ssyncset.done $0x0  }
0x16: {  	[sflag:s10] =	ssyncadd.s32 $0xFFFFE600  }
0x17: {  	[tilespmem:s12], [sflag:$0x3] =	stream.linear.gather [hbm4b:s7+s2], $0x1A00, $0x38;
	[tilespmem:$0x10400] =	vst v63  }
0x18: {  	_ =	swait.ge [sflag:s10], $0x1A00  }
0x19: {  	[sflag:s10] =	ssyncset.done $0x0  }
0x1a: {  	[sflag:s10] =	ssyncadd.s32 $0xFFFFE600  }
0x1b: {  	[tilespmem:s14], [sflag:$0x1] =	stream.indirect.gather [hbm4b:s4+s13], $0x40, s2, s13, $0xb8;
	[tilespmem:$0x10400] =	vst v63  }
0x1c: {  	_ = 	snop  }
0x1d: {  	[tilespmem:s15], [sflag:$0x1] =	stream.indirect.gather [hbm4b:s3+s13], $0x40, s11, s13, $0xb8;
	[tilespmem:$0x10400] =	vst v63  }
0x1e: {  	_ = 	snop  }
0x1f: {  	[tilespmem:s16], [sflag:$0x1] =	stream.indirect.gather [hbm4b:s3+s13], $0x40, s12, s13, $0xb8;
	[tilespmem:$0x10400] =	vst v63  }
0x20: {  	_ = 	snop  }
0x21: {  	[tilespmem:s18], [sflag:$0x2] =	stream.indirect.gather [hbm4b:s4+s13], $0x40, s17, s13, $0xb8;
	[tilespmem:$0x10400] =	vst v63  }
0x22: {  	_ = 	snop  }
0x23: {  	[tilespmem:s20], [sflag:$0x2] =	stream.indirect.gather [hbm4b:s3+s13], $0x40, s19, s13, $0xb8;
	[tilespmem:$0x10400] =	vst v63  }
0x24: {  	s28 =	simm.s32 $0x0  }
0x25: {  	[tilespmem:s22], [sflag:$0x2] =	stream.indirect.gather [hbm4b:s3+s13], $0x40, s21, s13, $0xb8;
	[tilespmem:$0x10400] =	vst v63  }
.LBB2_2:
0x26: {  	_ =	swait.ge [sflag:s23], $0x1900  }
0x27: {  	[sflag:s23] =	ssyncset.done $0x0  }
0x28: {  	[sflag:s23] =	ssyncadd.s32 $0xFFFFE700  }
0x29: {  	_ =	swait.ge [sflag:s23], $0x1900  }
0x2a: {  	[sflag:s23] =	ssyncset.done $0x0  }
0x2b: {  	[sflag:s23] =	ssyncadd.s32 $0xFFFFE700  }
0x2c: {  	_ =	swait.ge [sflag:s23], $0x1900  }
0x2d: {  	[sflag:s23] =	ssyncset.done $0x0  }
0x2e: {  	s1 =	simm.s32 $0x0;
	[sflag:s23] =	ssyncadd.s32 $0xFFFFE700  }
0x2f: {  	v0 =	vld [tilespmem:s1+$0x5AB0]  }
0x30: {  	v1 =	vld [tilespmem:s1+$0x8CB0]  }
0x31: {  	v2 =	vld [tilespmem:s1+$0x4E00]  }
0x32: {  	v3 =	vld [tilespmem:s1+$0xBEB0]  }
0x33: {  	v4 =	vld [tilespmem:s1+$0x8000]  }
0x34: {  	v5 =	vld [tilespmem:s1+$0x4E10]  }
0x35: {  	v6 =	vld [tilespmem:s1+$0x8010]  }
0x36: {  	v7 =	vld [tilespmem:s1+$0x4E20]  }
0x37: {  	v8 =	vld [tilespmem:s1+$0x8020]  }
0x38: {  	v9 =	vld [tilespmem:s1+$0x4E30]  }
0x39: {  	v10 =	vld [tilespmem:s1+$0x8030]  }
0x3a: {  	v11 =	vld [tilespmem:s1+$0x5A80]  }
0x3b: {  	v12 =	vld [tilespmem:s1+$0x8C80]  }
0x3c: {  	v14 =	vld [tilespmem:s1+$0x5A90]  }
0x3d: {  	v15 =	vld [tilespmem:s1+$0x8C90]  }
0x3e: {  	v17 =	vld [tilespmem:s1+$0x5AA0]  }
0x3f: {  	v16 =	vld [tilespmem:s1+$0xB200]  }
0x40: {  	v18 =	vld [tilespmem:s1+$0xB210]  }
0x41: {  	v0 =	vmul.f32 v1, v0;
	v1 =	vld [tilespmem:s1+$0x8CA0];
	v2 =	vmul.f32 v4, v2  }
0x42: {  	v4 =	vld [tilespmem:s1+$0xB220];
	v5 =	vmul.f32 v6, v5;
	v6 =	vmul.f32 v8, v7  }
0x43: {  	v9 =	vmul.f32 v10, v9;
	v12 =	vmul.f32 v12, v11  }
0x44: {  	v13 =	vld [tilespmem:s1+$0xB230];
	v0 =	vmul.f32 v3, v0;
	v2 =	vmul.f32 v16, v2  }
0x45: {  	v11 =	vmul.f32 v15, v14;
	v7 =	vimm.f32 $0.0e+00;
	v3 =	vimm.f32 $0.0e+00;
	v16 =	vld [tilespmem:s1+$0xBE80]  }
0x46: {  	v15 =	vld [tilespmem:s1+$0xBE90];
	v0 =	vadd.f32 v0, v3;
	v2 =	vadd.f32 v2, v3;
	v10 =	vmul.f32 v1, v17  }
0x47: {  	s29 =	simm.s32 $0x40;
	v14 =	vld [tilespmem:s1+$0xBEA0];
	v17 =	vmul.f32 v18, v5;
	v18 =	vmul.f32 v4, v6;
	v6 =	vimm.f32 $0.0e+00  }
0x48: {  	s30 =	simm.s32 $0x200;
	v8 =	vld [tilespmem:s29+$0x5AB0];
	v5 =	vimm.f32 $0.0e+00;
	v4 =	vimm.f32 $0.0e+00;
	v1 =	vimm.f32 $0.0e+00  }
.LBB2_3:
0x49: {  	p0 =	sne.s32 s30, $0x3100;
	v19 =	vld [tilespmem:s29+$0x8CB0];
	v3 =	vadd.f32 v17, v3;
	v9 =	vmul.f32 v13, v9  }
0x4a: {  	v13 =	vld [tilespmem:s29+$0x4E00];
	v7 =	vadd.f32 v18, v7;
	v12 =	vmul.f32 v16, v12  }
0x4b: {  	v16 =	vld [tilespmem:s29+$0xBEB0];
	v6 =	vadd.f32 v9, v6;
	v9 =	vmul.f32 v15, v11  }
0x4c: {  	v11 =	vld [tilespmem:s29+$0x8000];
	v5 =	vadd.f32 v12, v5;
	v10 =	vmul.f32 v14, v10  }
0x4d: {  	v12 =	vld [tilespmem:s29+$0x4E10];
	v4 =	vadd.f32 v9, v4  }
0x4e: {  	v9 =	vld [tilespmem:s29+$0x8010];
	v8 =	vmul.f32 v19, v8;
	v1 =	vadd.f32 v10, v1  }
0x4f: {  	v10 =	vld [tilespmem:s29+$0x4E20]  }
0x50: {  	v14 =	vld [tilespmem:s29+$0x8020];
	v8 =	vmul.f32 v16, v8  }
0x51: {  	v15 =	vmul.f32 v11, v13;
	v11 =	vld [tilespmem:s29+$0x4E30]  }
0x52: {  	v13 =	vld [tilespmem:s29+$0x8030];
	v0 =	vadd.f32 v8, v0  }
0x53: {  	v8 =	vmul.f32 v9, v12;
	v12 =	vld [tilespmem:s29+$0x5A80]  }
0x54: {  	v16 =	vld [tilespmem:s29+$0x8C80]  }
0x55: {  	v18 =	vmul.f32 v14, v10;
	v10 =	vld [tilespmem:s29+$0x5A90]  }
0x56: {  	v14 =	vld [tilespmem:s29+$0x8C90]  }
0x57: {  	v9 =	vmul.f32 v13, v11;
	v17 =	vld [tilespmem:s29+$0x5AA0]  }
0x58: {  	v19 =	vld [tilespmem:s29+$0x8CA0]  }
0x59: {  	v20 =	vld [tilespmem:s29+$0xB200];
	v12 =	vmul.f32 v16, v12  }
0x5a: {  	v21 =	vld [tilespmem:s29+$0xB210]  }
0x5b: {  	v22 =	vld [tilespmem:s29+$0xB220];
	v11 =	vmul.f32 v14, v10  }
.Ltmp0:
0x5c: {  	v13 =	vld [tilespmem:s29+$0xB230];
	(pc) =	sbr.rel @p0 .LBB2_3-.Ltmp0, $4  }
0x5d: {  	v16 =	vld [tilespmem:s29+$0xBE80];
	v10 =	vmul.f32 v19, v17  }
0x5e: {  	v19 =	vmul.f32 v20, v15;
	v15 =	vld [tilespmem:s29+$0xBE90]  }
0x5f: {  	v17 =	vmul.f32 v21, v8;
	v14 =	vld [tilespmem:s29+$0xBEA0];
	s29 =	sshra.s32 s30, $0x2  }
0x60: {  	s30 =	sadd.s32 $0x100, s30;
	v8 =	vld [tilespmem:s29+$0x5AB0];
	v2 =	vadd.f32 v19, v2;
	v18 =	vmul.f32 v22, v18  }
0x61: {  	v19 =	vld [tilespmem:s29+$0x8CB0]  }
0x62: {  	v20 =	vld [tilespmem:s29+$0x4E00]  }
0x63: {  	v21 =	vld [tilespmem:s29+$0x8000]  }
0x64: {  	v22 =	vld [tilespmem:s29+$0x4E10]  }
0x65: {  	v23 =	vld [tilespmem:s29+$0x8010]  }
0x66: {  	v24 =	vld [tilespmem:s29+$0x4E20]  }
0x67: {  	v25 =	vld [tilespmem:s29+$0x8020]  }
0x68: {  	v26 =	vld [tilespmem:s29+$0x4E30]  }
0x69: {  	v27 =	vld [tilespmem:s29+$0x8030]  }
0x6a: {  	v28 =	vld [tilespmem:s29+$0x5A80]  }
0x6b: {  	v29 =	vld [tilespmem:s29+$0x8C80]  }
0x6c: {  	v30 =	vld [tilespmem:s29+$0x5A90]  }
0x6d: {  	v31 =	vld [tilespmem:s29+$0x8C90]  }
0x6e: {  	v32 =	vld [tilespmem:s29+$0x5AA0]  }
0x6f: {  	v33 =	vld [tilespmem:s29+$0x8CA0]  }
0x70: {  	v34 =	vld [tilespmem:s29+$0xB200]  }
0x71: {  	v35 =	vld [tilespmem:s29+$0xB210]  }
0x72: {  	v3 =	vadd.f32 v17, v3;
	v9 =	vmul.f32 v13, v9;
	v13 =	vld [tilespmem:s29+$0xB220];
	v12 =	vmul.f32 v16, v12  }
0x73: {  	v7 =	vadd.f32 v18, v7;
	v16 =	vld [tilespmem:s29+$0xB230];
	v11 =	vmul.f32 v15, v11;
	v15 =	vmul.f32 v21, v20  }
0x74: {  	v6 =	vadd.f32 v9, v6;
	v9 =	vmul.f32 v14, v10;
	v14 =	vld [tilespmem:s29+$0xBE80];
	v10 =	vmul.f32 v23, v22  }
0x75: {  	v17 =	vld [tilespmem:s29+$0xBE90];
	v5 =	vadd.f32 v12, v5;
	v12 =	vmul.f32 v25, v24;
	v15 =	vmul.f32 v34, v15  }
0x76: {  	v18 =	vld [tilespmem:s29+$0xBEA0];
	v4 =	vadd.f32 v11, v4;
	v11 =	vmul.f32 v27, v26;
	v10 =	vmul.f32 v35, v10  }
0x77: {  	s1 =	sshll.u32 s28, $0xA;
	v20 =	vmul.f32 v29, v28;
	v12 =	vmul.f32 v13, v12;
	v13 =	vld [tilespmem:s29+$0xBEB0];
	v2 =	vadd.f32 v15, v2  }
0x78: {  	s29 =	sshra.s32 s1, $0x2;
	v15 =	vmul.f32 v31, v30;
	v3 =	vadd.f32 v10, v3;
	v10 =	vmul.f32 v16, v11  }
0x79: {  	v11 =	vmul.f32 v33, v32;
	v7 =	vadd.f32 v12, v7;
	v12 =	vmul.f32 v14, v20;
	[tilespmem:s29+$0xE400] =	vst v2  }
0x7a: {  	v2 =	vmul.f32 v19, v8;
	v6 =	vadd.f32 v10, v6;
	v8 =	vmul.f32 v17, v15;
	[tilespmem:s29+$0xE410] =	vst v3  }
0x7b: {  	v1 =	vadd.f32 v9, v1;
	v3 =	vadd.f32 v12, v5;
	v5 =	vmul.f32 v18, v11;
	[tilespmem:s29+$0xE420] =	vst v7  }
0x7c: {  	v2 =	vmul.f32 v13, v2;
	v4 =	vadd.f32 v8, v4;
	[tilespmem:s29+$0xE430] =	vst v6  }
0x7d: {  	v1 =	vadd.f32 v5, v1;
	[tilespmem:s29+$0xE440] =	vst v3  }
0x7e: {  	s30 =	smul.u32 $0xD0, s28;
	v0 =	vadd.f32 v2, v0;
	[tilespmem:s29+$0xE450] =	vst v4  }
0x7f: {  	[tilespmem:s29+$0xE460] =	vst v1  }
0x80: {  	s1 =	sadd.s32 $0xD0, s30;
	[tilespmem:s29+$0xE470] =	vst v0  }
0x81: {  	[tilespmem:s14], [sflag:$0x1] =	stream.indirect.gather [hbm4b:s4+s13], $0x40, s1, s13, $0xb8;
	[tilespmem:$0x10400] =	vst v63  }
0x82: {  	s1 =	sadd.s32 $0x1AD0, s30  }
0x83: {  	[tilespmem:s15], [sflag:$0x1] =	stream.indirect.gather [hbm4b:s3+s13], $0x40, s1, s13, $0xb8;
	[tilespmem:$0x10400] =	vst v63  }
0x84: {  	s1 =	sadd.s32 $0x34D0, s30  }
0x85: {  	[tilespmem:s16], [sflag:$0x1] =	stream.indirect.gather [hbm4b:s3+s13], $0x40, s1, s13, $0xb8;
	[tilespmem:$0x10400] =	vst v63  }
0x86: {  	_ =	swait.ge [sflag:s24], $0x1900  }
0x87: {  	[sflag:s24] =	ssyncset.done $0x0  }
0x88: {  	[sflag:s24] =	ssyncadd.s32 $0xFFFFE700  }
0x89: {  	_ =	swait.ge [sflag:s24], $0x1900  }
0x8a: {  	[sflag:s24] =	ssyncset.done $0x0  }
0x8b: {  	[sflag:s24] =	ssyncadd.s32 $0xFFFFE700  }
0x8c: {  	_ =	swait.ge [sflag:s24], $0x1900  }
0x8d: {  	[sflag:s24] =	ssyncset.done $0x0  }
0x8e: {  	s1 =	simm.s32 $0x0;
	[sflag:s24] =	ssyncadd.s32 $0xFFFFE700  }
0x8f: {  	v0 =	vld [tilespmem:s1+$0x73B0]  }
0x90: {  	v1 =	vld [tilespmem:s1+$0xA5B0]  }
0x91: {  	v2 =	vld [tilespmem:s1+$0x6700]  }
0x92: {  	v3 =	vld [tilespmem:s1+$0xD7B0]  }
0x93: {  	v4 =	vld [tilespmem:s1+$0x9900]  }
0x94: {  	v5 =	vld [tilespmem:s1+$0x6710]  }
0x95: {  	v6 =	vld [tilespmem:s1+$0x9910]  }
0x96: {  	v7 =	vld [tilespmem:s1+$0x6720]  }
0x97: {  	v8 =	vld [tilespmem:s1+$0x9920]  }
0x98: {  	v9 =	vld [tilespmem:s1+$0x6730]  }
0x99: {  	v10 =	vld [tilespmem:s1+$0x9930]  }
0x9a: {  	v11 =	vld [tilespmem:s1+$0x7380]  }
0x9b: {  	v12 =	vld [tilespmem:s1+$0xA580]  }
0x9c: {  	v14 =	vld [tilespmem:s1+$0x7390]  }
0x9d: {  	v15 =	vld [tilespmem:s1+$0xA590]  }
0x9e: {  	v17 =	vld [tilespmem:s1+$0x73A0]  }
0x9f: {  	v16 =	vld [tilespmem:s1+$0xCB00]  }
0xa0: {  	v18 =	vld [tilespmem:s1+$0xCB10]  }
0xa1: {  	v0 =	vmul.f32 v1, v0;
	v1 =	vld [tilespmem:s1+$0xA5A0];
	v2 =	vmul.f32 v4, v2  }
0xa2: {  	v4 =	vld [tilespmem:s1+$0xCB20];
	v5 =	vmul.f32 v6, v5;
	v6 =	vmul.f32 v8, v7  }
0xa3: {  	v9 =	vmul.f32 v10, v9;
	v12 =	vmul.f32 v12, v11  }
0xa4: {  	v13 =	vld [tilespmem:s1+$0xCB30];
	v0 =	vmul.f32 v3, v0;
	v2 =	vmul.f32 v16, v2  }
0xa5: {  	v11 =	vmul.f32 v15, v14;
	v7 =	vimm.f32 $0.0e+00;
	v3 =	vimm.f32 $0.0e+00;
	v16 =	vld [tilespmem:s1+$0xD780]  }
0xa6: {  	v15 =	vld [tilespmem:s1+$0xD790];
	v0 =	vadd.f32 v0, v3;
	v2 =	vadd.f32 v2, v3;
	v10 =	vmul.f32 v1, v17  }
0xa7: {  	s31 =	simm.s32 $0x40;
	v14 =	vld [tilespmem:s1+$0xD7A0];
	v17 =	vmul.f32 v18, v5;
	v18 =	vmul.f32 v4, v6;
	v6 =	vimm.f32 $0.0e+00  }
0xa8: {  	v8 =	vld [tilespmem:s31+$0x73B0];
	s1 =	simm.s32 $0x200;
	v5 =	vimm.f32 $0.0e+00;
	v4 =	vimm.f32 $0.0e+00;
	v1 =	vimm.f32 $0.0e+00  }
.LBB2_5:
0xa9: {  	p0 =	sne.s32 s1, $0x3100;
	v19 =	vld [tilespmem:s31+$0xA5B0];
	v3 =	vadd.f32 v17, v3;
	v9 =	vmul.f32 v13, v9  }
0xaa: {  	v13 =	vld [tilespmem:s31+$0x6700];
	v7 =	vadd.f32 v18, v7;
	v12 =	vmul.f32 v16, v12  }
0xab: {  	v16 =	vld [tilespmem:s31+$0xD7B0];
	v6 =	vadd.f32 v9, v6;
	v9 =	vmul.f32 v15, v11  }
0xac: {  	v11 =	vld [tilespmem:s31+$0x9900];
	v5 =	vadd.f32 v12, v5;
	v10 =	vmul.f32 v14, v10  }
0xad: {  	v12 =	vld [tilespmem:s31+$0x6710];
	v4 =	vadd.f32 v9, v4  }
0xae: {  	v9 =	vld [tilespmem:s31+$0x9910];
	v8 =	vmul.f32 v19, v8;
	v1 =	vadd.f32 v10, v1  }
0xaf: {  	v10 =	vld [tilespmem:s31+$0x6720]  }
0xb0: {  	v14 =	vld [tilespmem:s31+$0x9920];
	v8 =	vmul.f32 v16, v8  }
0xb1: {  	v15 =	vmul.f32 v11, v13;
	v11 =	vld [tilespmem:s31+$0x6730]  }
0xb2: {  	v13 =	vld [tilespmem:s31+$0x9930];
	v0 =	vadd.f32 v8, v0  }
0xb3: {  	v8 =	vmul.f32 v9, v12;
	v12 =	vld [tilespmem:s31+$0x7380]  }
0xb4: {  	v16 =	vld [tilespmem:s31+$0xA580]  }
0xb5: {  	v18 =	vmul.f32 v14, v10;
	v10 =	vld [tilespmem:s31+$0x7390]  }
0xb6: {  	v14 =	vld [tilespmem:s31+$0xA590]  }
0xb7: {  	v9 =	vmul.f32 v13, v11;
	v17 =	vld [tilespmem:s31+$0x73A0]  }
0xb8: {  	v19 =	vld [tilespmem:s31+$0xA5A0]  }
0xb9: {  	v20 =	vld [tilespmem:s31+$0xCB00];
	v12 =	vmul.f32 v16, v12  }
0xba: {  	v21 =	vld [tilespmem:s31+$0xCB10]  }
0xbb: {  	v22 =	vld [tilespmem:s31+$0xCB20];
	v11 =	vmul.f32 v14, v10  }
.Ltmp1:
0xbc: {  	v13 =	vld [tilespmem:s31+$0xCB30];
	(pc) =	sbr.rel @p0 .LBB2_5-.Ltmp1, $4  }
0xbd: {  	v16 =	vld [tilespmem:s31+$0xD780];
	v10 =	vmul.f32 v19, v17  }
0xbe: {  	v19 =	vmul.f32 v20, v15;
	v15 =	vld [tilespmem:s31+$0xD790]  }
0xbf: {  	v17 =	vmul.f32 v21, v8;
	v14 =	vld [tilespmem:s31+$0xD7A0];
	s31 =	sshra.s32 s1, $0x2  }
0xc0: {  	s1 =	sadd.s32 $0x100, s1;
	v8 =	vld [tilespmem:s31+$0x73B0];
	v2 =	vadd.f32 v19, v2;
	v18 =	vmul.f32 v22, v18  }
0xc1: {  	v19 =	vld [tilespmem:s31+$0xA5B0]  }
0xc2: {  	v20 =	vld [tilespmem:s31+$0x6700]  }
0xc3: {  	v21 =	vld [tilespmem:s31+$0x9900]  }
0xc4: {  	v22 =	vld [tilespmem:s31+$0x6710]  }
0xc5: {  	v23 =	vld [tilespmem:s31+$0x9910]  }
0xc6: {  	v24 =	vld [tilespmem:s31+$0x6720]  }
0xc7: {  	v25 =	vld [tilespmem:s31+$0x9920]  }
0xc8: {  	v26 =	vld [tilespmem:s31+$0x6730]  }
0xc9: {  	v27 =	vld [tilespmem:s31+$0x9930]  }
0xca: {  	v28 =	vld [tilespmem:s31+$0x7380]  }
0xcb: {  	v29 =	vld [tilespmem:s31+$0xA580]  }
0xcc: {  	v30 =	vld [tilespmem:s31+$0x7390]  }
0xcd: {  	v31 =	vld [tilespmem:s31+$0xA590]  }
0xce: {  	v32 =	vld [tilespmem:s31+$0x73A0]  }
0xcf: {  	v33 =	vld [tilespmem:s31+$0xA5A0]  }
0xd0: {  	v34 =	vld [tilespmem:s31+$0xCB00]  }
0xd1: {  	v35 =	vld [tilespmem:s31+$0xCB10]  }
0xd2: {  	v3 =	vadd.f32 v17, v3;
	v9 =	vmul.f32 v13, v9;
	v44 =	vld [tilespmem:s31+$0xCB20];
	v12 =	vmul.f32 v16, v12  }
0xd3: {  	v46 =	vld [tilespmem:s31+$0xCB30];
	v7 =	vadd.f32 v18, v7;
	v11 =	vmul.f32 v15, v11;
	v45 =	vmul.f32 v21, v20  }
0xd4: {  	v49 =	vld [tilespmem:s31+$0xD780];
	v6 =	vadd.f32 v9, v6;
	v47 =	vmul.f32 v14, v10;
	v48 =	vmul.f32 v23, v22  }
0xd5: {  	v51 =	vld [tilespmem:s31+$0xD790];
	v5 =	vadd.f32 v12, v5;
	v50 =	vmul.f32 v25, v24;
	v15 =	vmul.f32 v34, v45  }
0xd6: {  	v53 =	vld [tilespmem:s31+$0xD7A0];
	v4 =	vadd.f32 v11, v4;
	v52 =	vmul.f32 v27, v26;
	v10 =	vmul.f32 v35, v48  }
0xd7: {  	v55 =	vld [tilespmem:s31+$0xD7B0];
	v54 =	vmul.f32 v29, v28;
	v12 =	vmul.f32 v44, v50;
	v2 =	vadd.f32 v15, v2  }
0xd8: {  	v56 =	vmul.f32 v31, v30;
	v57 =	vmul.f32 v46, v52;
	v3 =	vadd.f32 v10, v3  }
0xd9: {  	v58 =	vmul.f32 v33, v32;
	v59 =	vmul.f32 v49, v54;
	v7 =	vadd.f32 v12, v7;
	[tilespmem:s29+$0xE480] =	vst v2  }
0xda: {  	v60 =	vmul.f32 v19, v8;
	v61 =	vmul.f32 v51, v56;
	v6 =	vadd.f32 v57, v6;
	[tilespmem:s29+$0xE490] =	vst v3  }
0xdb: {  	v1 =	vadd.f32 v47, v1;
	v63 =	vmul.f32 v53, v58;
	v62 =	vadd.f32 v59, v5;
	[tilespmem:s29+$0xE4A0] =	vst v7  }
0xdc: {  	v4 =	vadd.f32 v61, v4;
	v2 =	vmul.f32 v55, v60;
	[tilespmem:s29+$0xE4B0] =	vst v6  }
0xdd: {  	v1 =	vadd.f32 v63, v1;
	[tilespmem:s29+$0xE4C0] =	vst v62  }
0xde: {  	[tilespmem:s29+$0xE4D0] =	vst v4;
	v0 =	vadd.f32 v2, v0  }
0xdf: {  	s28 =	sadd.s32 $0x1, s28;
	[tilespmem:s29+$0xE4E0] =	vst v1  }
0xe0: {  	s1 =	sadd.s32 $0x138, s30;
	p0 =	sne.s32 s28, $0x1F;
	[tilespmem:s29+$0xE4F0] =	vst v0  }
0xe1: {  	[tilespmem:s18], [sflag:$0x2] =	stream.indirect.gather [hbm4b:s4+s13], $0x40, s1, s13, $0xb8;
	[tilespmem:$0x10400] =	vst v63  }
.Ltmp2:
0xe2: {  	_ = 	snop;
	(pc) =	sbr.rel @p0 .LBB2_2-.Ltmp2, $4  }
0xe3: {  	s29 =	sadd.s32 $0x1B38, s30  }
0xe4: {  	[tilespmem:s20], [sflag:$0x2] =	stream.indirect.gather [hbm4b:s3+s13], $0x40, s29, s13, $0xb8;
	[tilespmem:$0x10400] =	vst v63  }
0xe5: {  	s31 =	sadd.s32 $0x3538, s30  }
0xe6: {  	[tilespmem:s22], [sflag:$0x2] =	stream.indirect.gather [hbm4b:s3+s13], $0x40, s31, s13, $0xb8;
	[tilespmem:$0x10400] =	vst v63  }
0xe7: {  	_ =	swait.ge [sflag:s23], $0x1900  }
0xe8: {  	[sflag:s23] =	ssyncset.done $0x0  }
0xe9: {  	[sflag:s23] =	ssyncadd.s32 $0xFFFFE700  }
0xea: {  	_ =	swait.ge [sflag:s23], $0x1900  }
0xeb: {  	[sflag:s23] =	ssyncset.done $0x0  }
0xec: {  	[sflag:s23] =	ssyncadd.s32 $0xFFFFE700  }
0xed: {  	_ =	swait.ge [sflag:s23], $0x1900  }
0xee: {  	[sflag:s23] =	ssyncset.done $0x0  }
0xef: {  	s1 =	simm.s32 $0x0;
	[sflag:s23] =	ssyncadd.s32 $0xFFFFE700  }
0xf0: {  	v0 =	vld [tilespmem:s1+$0x5AB0]  }
0xf1: {  	v1 =	vld [tilespmem:s1+$0x8CB0]  }
0xf2: {  	v2 =	vld [tilespmem:s1+$0x4E00]  }
0xf3: {  	v3 =	vld [tilespmem:s1+$0xBEB0]  }
0xf4: {  	v4 =	vld [tilespmem:s1+$0x8000]  }
0xf5: {  	v5 =	vld [tilespmem:s1+$0x4E10]  }
0xf6: {  	v6 =	vld [tilespmem:s1+$0x8010]  }
0xf7: {  	v7 =	vld [tilespmem:s1+$0x4E20]  }
0xf8: {  	v8 =	vld [tilespmem:s1+$0x8020]  }
0xf9: {  	v9 =	vld [tilespmem:s1+$0x4E30]  }
0xfa: {  	v10 =	vld [tilespmem:s1+$0x8030]  }
0xfb: {  	v11 =	vld [tilespmem:s1+$0x5A80]  }
0xfc: {  	v12 =	vld [tilespmem:s1+$0x8C80]  }
0xfd: {  	v14 =	vld [tilespmem:s1+$0x5A90]  }
0xfe: {  	v15 =	vld [tilespmem:s1+$0x8C90]  }
0xff: {  	v17 =	vld [tilespmem:s1+$0x5AA0]  }
0x100: {  	v16 =	vld [tilespmem:s1+$0xB200]  }
0x101: {  	v18 =	vld [tilespmem:s1+$0xB210]  }
0x102: {  	v0 =	vmul.f32 v1, v0;
	v1 =	vld [tilespmem:s1+$0x8CA0];
	v2 =	vmul.f32 v4, v2  }
0x103: {  	v4 =	vld [tilespmem:s1+$0xB220];
	v5 =	vmul.f32 v6, v5;
	v6 =	vmul.f32 v8, v7  }
0x104: {  	v9 =	vmul.f32 v10, v9;
	v12 =	vmul.f32 v12, v11  }
0x105: {  	v13 =	vld [tilespmem:s1+$0xB230];
	v0 =	vmul.f32 v3, v0;
	v2 =	vmul.f32 v16, v2  }
0x106: {  	v11 =	vmul.f32 v15, v14;
	v7 =	vimm.f32 $0.0e+00;
	v3 =	vimm.f32 $0.0e+00;
	v16 =	vld [tilespmem:s1+$0xBE80]  }
0x107: {  	v15 =	vld [tilespmem:s1+$0xBE90];
	v0 =	vadd.f32 v0, v3;
	v2 =	vadd.f32 v2, v3;
	v10 =	vmul.f32 v1, v17  }
0x108: {  	s28 =	simm.s32 $0x40;
	v14 =	vld [tilespmem:s1+$0xBEA0];
	v17 =	vmul.f32 v18, v5;
	v18 =	vmul.f32 v4, v6;
	v6 =	vimm.f32 $0.0e+00  }
0x109: {  	v8 =	vld [tilespmem:s28+$0x5AB0];
	s1 =	simm.s32 $0x200;
	v5 =	vimm.f32 $0.0e+00;
	v4 =	vimm.f32 $0.0e+00;
	v1 =	vimm.f32 $0.0e+00  }
.LBB2_8:
0x10a: {  	p0 =	sne.s32 s1, $0x3100;
	v19 =	vld [tilespmem:s28+$0x8CB0];
	v3 =	vadd.f32 v17, v3;
	v9 =	vmul.f32 v13, v9  }
0x10b: {  	v13 =	vld [tilespmem:s28+$0x4E00];
	v7 =	vadd.f32 v18, v7;
	v12 =	vmul.f32 v16, v12  }
0x10c: {  	v16 =	vld [tilespmem:s28+$0xBEB0];
	v6 =	vadd.f32 v9, v6;
	v9 =	vmul.f32 v15, v11  }
0x10d: {  	v11 =	vld [tilespmem:s28+$0x8000];
	v5 =	vadd.f32 v12, v5;
	v10 =	vmul.f32 v14, v10  }
0x10e: {  	v12 =	vld [tilespmem:s28+$0x4E10];
	v4 =	vadd.f32 v9, v4  }
0x10f: {  	v9 =	vld [tilespmem:s28+$0x8010];
	v8 =	vmul.f32 v19, v8;
	v1 =	vadd.f32 v10, v1  }
0x110: {  	v10 =	vld [tilespmem:s28+$0x4E20]  }
0x111: {  	v14 =	vld [tilespmem:s28+$0x8020];
	v8 =	vmul.f32 v16, v8  }
0x112: {  	v15 =	vmul.f32 v11, v13;
	v11 =	vld [tilespmem:s28+$0x4E30]  }
0x113: {  	v13 =	vld [tilespmem:s28+$0x8030];
	v0 =	vadd.f32 v8, v0  }
0x114: {  	v8 =	vmul.f32 v9, v12;
	v12 =	vld [tilespmem:s28+$0x5A80]  }
0x115: {  	v16 =	vld [tilespmem:s28+$0x8C80]  }
0x116: {  	v18 =	vmul.f32 v14, v10;
	v10 =	vld [tilespmem:s28+$0x5A90]  }
0x117: {  	v14 =	vld [tilespmem:s28+$0x8C90]  }
0x118: {  	v9 =	vmul.f32 v13, v11;
	v17 =	vld [tilespmem:s28+$0x5AA0]  }
0x119: {  	v19 =	vld [tilespmem:s28+$0x8CA0]  }
0x11a: {  	v20 =	vld [tilespmem:s28+$0xB200];
	v12 =	vmul.f32 v16, v12  }
0x11b: {  	v21 =	vld [tilespmem:s28+$0xB210]  }
0x11c: {  	v22 =	vld [tilespmem:s28+$0xB220];
	v11 =	vmul.f32 v14, v10  }
.Ltmp3:
0x11d: {  	v13 =	vld [tilespmem:s28+$0xB230];
	(pc) =	sbr.rel @p0 .LBB2_8-.Ltmp3, $4  }
0x11e: {  	v16 =	vld [tilespmem:s28+$0xBE80];
	v10 =	vmul.f32 v19, v17  }
0x11f: {  	v19 =	vmul.f32 v20, v15;
	v15 =	vld [tilespmem:s28+$0xBE90]  }
0x120: {  	v17 =	vmul.f32 v21, v8;
	v14 =	vld [tilespmem:s28+$0xBEA0];
	s28 =	sshra.s32 s1, $0x2  }
0x121: {  	s1 =	sadd.s32 $0x100, s1;
	v8 =	vld [tilespmem:s28+$0x5AB0];
	v2 =	vadd.f32 v19, v2;
	v18 =	vmul.f32 v22, v18  }
0x122: {  	v19 =	vld [tilespmem:s28+$0x8CB0]  }
0x123: {  	v20 =	vld [tilespmem:s28+$0x4E00]  }
0x124: {  	v21 =	vld [tilespmem:s28+$0x8000]  }
0x125: {  	v22 =	vld [tilespmem:s28+$0x4E10]  }
0x126: {  	v23 =	vld [tilespmem:s28+$0x8010]  }
0x127: {  	v24 =	vld [tilespmem:s28+$0x4E20]  }
0x128: {  	v25 =	vld [tilespmem:s28+$0x8020]  }
0x129: {  	v26 =	vld [tilespmem:s28+$0x4E30]  }
0x12a: {  	v27 =	vld [tilespmem:s28+$0x8030]  }
0x12b: {  	v28 =	vld [tilespmem:s28+$0x5A80]  }
0x12c: {  	v29 =	vld [tilespmem:s28+$0x8C80]  }
0x12d: {  	v30 =	vld [tilespmem:s28+$0x5A90]  }
0x12e: {  	v31 =	vld [tilespmem:s28+$0x8C90]  }
0x12f: {  	v32 =	vld [tilespmem:s28+$0x5AA0]  }
0x130: {  	v33 =	vld [tilespmem:s28+$0x8CA0]  }
0x131: {  	v34 =	vld [tilespmem:s28+$0xB200]  }
0x132: {  	v35 =	vld [tilespmem:s28+$0xB210]  }
0x133: {  	v3 =	vadd.f32 v17, v3;
	v9 =	vmul.f32 v13, v9;
	v13 =	vld [tilespmem:s28+$0xB220];
	v12 =	vmul.f32 v16, v12  }
0x134: {  	v7 =	vadd.f32 v18, v7;
	v16 =	vld [tilespmem:s28+$0xB230];
	v11 =	vmul.f32 v15, v11;
	v15 =	vmul.f32 v21, v20  }
0x135: {  	v6 =	vadd.f32 v9, v6;
	v9 =	vmul.f32 v14, v10;
	v14 =	vld [tilespmem:s28+$0xBE80];
	v10 =	vmul.f32 v23, v22  }
0x136: {  	v17 =	vld [tilespmem:s28+$0xBE90];
	v5 =	vadd.f32 v12, v5;
	v12 =	vmul.f32 v25, v24;
	v15 =	vmul.f32 v34, v15  }
0x137: {  	v18 =	vld [tilespmem:s28+$0xBEA0];
	v4 =	vadd.f32 v11, v4;
	v11 =	vmul.f32 v27, v26;
	v10 =	vmul.f32 v35, v10  }
0x138: {  	v20 =	vmul.f32 v29, v28;
	v12 =	vmul.f32 v13, v12;
	v13 =	vld [tilespmem:s28+$0xBEB0];
	v2 =	vadd.f32 v15, v2  }
0x139: {  	v15 =	vmul.f32 v31, v30;
	v3 =	vadd.f32 v10, v3;
	v10 =	vmul.f32 v16, v11  }
0x13a: {  	v11 =	vmul.f32 v33, v32;
	v7 =	vadd.f32 v12, v7;
	v12 =	vmul.f32 v14, v20;
	[tilespmem:$0x10300] =	vst v2  }
0x13b: {  	v2 =	vmul.f32 v19, v8;
	v6 =	vadd.f32 v10, v6;
	v8 =	vmul.f32 v17, v15;
	[tilespmem:$0x10310] =	vst v3  }
0x13c: {  	v1 =	vadd.f32 v9, v1;
	v3 =	vadd.f32 v12, v5;
	v5 =	vmul.f32 v18, v11;
	[tilespmem:$0x10320] =	vst v7  }
0x13d: {  	v2 =	vmul.f32 v13, v2;
	v4 =	vadd.f32 v8, v4;
	[tilespmem:$0x10330] =	vst v6  }
0x13e: {  	v1 =	vadd.f32 v5, v1;
	[tilespmem:$0x10340] =	vst v3  }
0x13f: {  	v0 =	vadd.f32 v2, v0;
	[tilespmem:$0x10350] =	vst v4  }
0x140: {  	[tilespmem:$0x10360] =	vst v1  }
0x141: {  	[tilespmem:$0x10370] =	vst v0  }
0x142: {  	_ =	swait.ge [sflag:s24], $0x1900  }
0x143: {  	[sflag:s24] =	ssyncset.done $0x0  }
0x144: {  	[sflag:s24] =	ssyncadd.s32 $0xFFFFE700  }
0x145: {  	_ =	swait.ge [sflag:s24], $0x1900  }
0x146: {  	[sflag:s24] =	ssyncset.done $0x0  }
0x147: {  	[sflag:s24] =	ssyncadd.s32 $0xFFFFE700  }
0x148: {  	_ =	swait.ge [sflag:s24], $0x1900  }
0x149: {  	[sflag:s24] =	ssyncset.done $0x0  }
0x14a: {  	s1 =	simm.s32 $0x0;
	[sflag:s24] =	ssyncadd.s32 $0xFFFFE700  }
0x14b: {  	v0 =	vld [tilespmem:s1+$0x73B0]  }
0x14c: {  	v1 =	vld [tilespmem:s1+$0xA5B0]  }
0x14d: {  	v2 =	vld [tilespmem:s1+$0x6700]  }
0x14e: {  	v3 =	vld [tilespmem:s1+$0xD7B0]  }
0x14f: {  	v4 =	vld [tilespmem:s1+$0x9900]  }
0x150: {  	v5 =	vld [tilespmem:s1+$0x6710]  }
0x151: {  	v6 =	vld [tilespmem:s1+$0x9910]  }
0x152: {  	v7 =	vld [tilespmem:s1+$0x6720]  }
0x153: {  	v8 =	vld [tilespmem:s1+$0x9920]  }
0x154: {  	v9 =	vld [tilespmem:s1+$0x6730]  }
0x155: {  	v10 =	vld [tilespmem:s1+$0x9930]  }
0x156: {  	v11 =	vld [tilespmem:s1+$0x7380]  }
0x157: {  	v12 =	vld [tilespmem:s1+$0xA580]  }
0x158: {  	v14 =	vld [tilespmem:s1+$0x7390]  }
0x159: {  	v15 =	vld [tilespmem:s1+$0xA590]  }
0x15a: {  	v17 =	vld [tilespmem:s1+$0x73A0]  }
0x15b: {  	v16 =	vld [tilespmem:s1+$0xCB00]  }
0x15c: {  	v18 =	vld [tilespmem:s1+$0xCB10]  }
0x15d: {  	v0 =	vmul.f32 v1, v0;
	v1 =	vld [tilespmem:s1+$0xA5A0];
	v2 =	vmul.f32 v4, v2  }
0x15e: {  	v4 =	vld [tilespmem:s1+$0xCB20];
	v5 =	vmul.f32 v6, v5;
	v6 =	vmul.f32 v8, v7  }
0x15f: {  	v9 =	vmul.f32 v10, v9;
	v12 =	vmul.f32 v12, v11  }
0x160: {  	v13 =	vld [tilespmem:s1+$0xCB30];
	v0 =	vmul.f32 v3, v0;
	v2 =	vmul.f32 v16, v2  }
0x161: {  	v11 =	vmul.f32 v15, v14;
	v7 =	vimm.f32 $0.0e+00;
	v3 =	vimm.f32 $0.0e+00;
	v16 =	vld [tilespmem:s1+$0xD780]  }
0x162: {  	v15 =	vld [tilespmem:s1+$0xD790];
	v0 =	vadd.f32 v0, v3;
	v2 =	vadd.f32 v2, v3;
	v10 =	vmul.f32 v1, v17  }
0x163: {  	s28 =	simm.s32 $0x40;
	v14 =	vld [tilespmem:s1+$0xD7A0];
	v17 =	vmul.f32 v18, v5;
	v18 =	vmul.f32 v4, v6;
	v6 =	vimm.f32 $0.0e+00  }
0x164: {  	v8 =	vld [tilespmem:s28+$0x73B0];
	s1 =	simm.s32 $0x200;
	v5 =	vimm.f32 $0.0e+00;
	v4 =	vimm.f32 $0.0e+00;
	v1 =	vimm.f32 $0.0e+00  }
.LBB2_10:
0x165: {  	p0 =	sne.s32 s1, $0x3100;
	v19 =	vld [tilespmem:s28+$0xA5B0];
	v3 =	vadd.f32 v17, v3;
	v9 =	vmul.f32 v13, v9  }
0x166: {  	v13 =	vld [tilespmem:s28+$0x6700];
	v7 =	vadd.f32 v18, v7;
	v12 =	vmul.f32 v16, v12  }
0x167: {  	v16 =	vld [tilespmem:s28+$0xD7B0];
	v6 =	vadd.f32 v9, v6;
	v9 =	vmul.f32 v15, v11  }
0x168: {  	v11 =	vld [tilespmem:s28+$0x9900];
	v5 =	vadd.f32 v12, v5;
	v10 =	vmul.f32 v14, v10  }
0x169: {  	v12 =	vld [tilespmem:s28+$0x6710];
	v4 =	vadd.f32 v9, v4  }
0x16a: {  	v9 =	vld [tilespmem:s28+$0x9910];
	v8 =	vmul.f32 v19, v8;
	v1 =	vadd.f32 v10, v1  }
0x16b: {  	v10 =	vld [tilespmem:s28+$0x6720]  }
0x16c: {  	v14 =	vld [tilespmem:s28+$0x9920];
	v8 =	vmul.f32 v16, v8  }
0x16d: {  	v15 =	vmul.f32 v11, v13;
	v11 =	vld [tilespmem:s28+$0x6730]  }
0x16e: {  	v13 =	vld [tilespmem:s28+$0x9930];
	v0 =	vadd.f32 v8, v0  }
0x16f: {  	v8 =	vmul.f32 v9, v12;
	v12 =	vld [tilespmem:s28+$0x7380]  }
0x170: {  	v16 =	vld [tilespmem:s28+$0xA580]  }
0x171: {  	v18 =	vmul.f32 v14, v10;
	v10 =	vld [tilespmem:s28+$0x7390]  }
0x172: {  	v14 =	vld [tilespmem:s28+$0xA590]  }
0x173: {  	v9 =	vmul.f32 v13, v11;
	v17 =	vld [tilespmem:s28+$0x73A0]  }
0x174: {  	v19 =	vld [tilespmem:s28+$0xA5A0]  }
0x175: {  	v20 =	vld [tilespmem:s28+$0xCB00];
	v12 =	vmul.f32 v16, v12  }
0x176: {  	v21 =	vld [tilespmem:s28+$0xCB10]  }
0x177: {  	v22 =	vld [tilespmem:s28+$0xCB20];
	v11 =	vmul.f32 v14, v10  }
.Ltmp4:
0x178: {  	v13 =	vld [tilespmem:s28+$0xCB30];
	(pc) =	sbr.rel @p0 .LBB2_10-.Ltmp4, $4  }
0x179: {  	v16 =	vld [tilespmem:s28+$0xD780];
	v10 =	vmul.f32 v19, v17  }
0x17a: {  	v19 =	vmul.f32 v20, v15;
	v15 =	vld [tilespmem:s28+$0xD790]  }
0x17b: {  	v17 =	vmul.f32 v21, v8;
	v14 =	vld [tilespmem:s28+$0xD7A0];
	s28 =	sshra.s32 s1, $0x2  }
0x17c: {  	s1 =	sadd.s32 $0x100, s1;
	v8 =	vld [tilespmem:s28+$0x73B0];
	v2 =	vadd.f32 v19, v2;
	v18 =	vmul.f32 v22, v18  }
0x17d: {  	v19 =	vld [tilespmem:s28+$0xA5B0]  }
0x17e: {  	v20 =	vld [tilespmem:s28+$0x6700]  }
0x17f: {  	v21 =	vld [tilespmem:s28+$0x9900]  }
0x180: {  	v22 =	vld [tilespmem:s28+$0x6710]  }
0x181: {  	v23 =	vld [tilespmem:s28+$0x9910]  }
0x182: {  	v24 =	vld [tilespmem:s28+$0x6720]  }
0x183: {  	v25 =	vld [tilespmem:s28+$0x9920]  }
0x184: {  	v26 =	vld [tilespmem:s28+$0x6730]  }
0x185: {  	v27 =	vld [tilespmem:s28+$0x9930]  }
0x186: {  	v28 =	vld [tilespmem:s28+$0x7380]  }
0x187: {  	v29 =	vld [tilespmem:s28+$0xA580]  }
0x188: {  	v30 =	vld [tilespmem:s28+$0x7390]  }
0x189: {  	v31 =	vld [tilespmem:s28+$0xA590]  }
0x18a: {  	v32 =	vld [tilespmem:s28+$0x73A0]  }
0x18b: {  	v33 =	vld [tilespmem:s28+$0xA5A0]  }
0x18c: {  	v34 =	vld [tilespmem:s28+$0xCB00]  }
0x18d: {  	v35 =	vld [tilespmem:s28+$0xCB10]  }
0x18e: {  	v3 =	vadd.f32 v17, v3;
	v9 =	vmul.f32 v13, v9;
	v44 =	vld [tilespmem:s28+$0xCB20];
	v12 =	vmul.f32 v16, v12  }
0x18f: {  	v46 =	vld [tilespmem:s28+$0xCB30];
	v7 =	vadd.f32 v18, v7;
	v11 =	vmul.f32 v15, v11;
	v45 =	vmul.f32 v21, v20  }
0x190: {  	v49 =	vld [tilespmem:s28+$0xD780];
	v6 =	vadd.f32 v9, v6;
	v47 =	vmul.f32 v14, v10;
	v48 =	vmul.f32 v23, v22  }
0x191: {  	v51 =	vld [tilespmem:s28+$0xD790];
	v5 =	vadd.f32 v12, v5;
	v50 =	vmul.f32 v25, v24;
	v15 =	vmul.f32 v34, v45  }
0x192: {  	v53 =	vld [tilespmem:s28+$0xD7A0];
	v4 =	vadd.f32 v11, v4;
	v52 =	vmul.f32 v27, v26;
	v10 =	vmul.f32 v35, v48  }
0x193: {  	v55 =	vld [tilespmem:s28+$0xD7B0];
	v54 =	vmul.f32 v29, v28;
	v12 =	vmul.f32 v44, v50;
	v2 =	vadd.f32 v15, v2  }
0x194: {  	v56 =	vmul.f32 v31, v30;
	v57 =	vmul.f32 v46, v52;
	v3 =	vadd.f32 v10, v3  }
0x195: {  	v58 =	vmul.f32 v33, v32;
	v59 =	vmul.f32 v49, v54;
	v7 =	vadd.f32 v12, v7;
	[tilespmem:$0x10380] =	vst v2  }
0x196: {  	v60 =	vmul.f32 v19, v8;
	v61 =	vmul.f32 v51, v56;
	v6 =	vadd.f32 v57, v6;
	[tilespmem:$0x10390] =	vst v3  }
0x197: {  	v1 =	vadd.f32 v47, v1;
	v63 =	vmul.f32 v53, v58;
	v62 =	vadd.f32 v59, v5;
	[tilespmem:$0x103A0] =	vst v7  }
0x198: {  	v4 =	vadd.f32 v61, v4;
	v2 =	vmul.f32 v55, v60;
	[tilespmem:$0x103B0] =	vst v6  }
0x199: {  	v1 =	vadd.f32 v63, v1;
	[tilespmem:$0x103C0] =	vst v62  }
0x19a: {  	s26 =	sadd.s32 $0x1, s26;
	[tilespmem:$0x103D0] =	vst v4;
	v0 =	vadd.f32 v2, v0  }
0x19b: {  	p0 =	sne.s32 s26, s9;
	[tilespmem:$0x103E0] =	vst v1  }
.Ltmp5:
0x19c: {  	[tilespmem:$0x103F0] =	vst v0;
	(pc) =	sbr.rel @p0 .LBB2_1-.Ltmp5, $4  }
0x19d: {  	[hbm4b:s8+s2] =	stream.linear.scatter [tilespmem:s25], [sflag:$0x3], $0x2000, $0x38;
	[tilespmem:$0x10400] =	vst v63  }
0x19e: {  	_ =	swait.ge [sflag:s10], $0x2000  }
0x19f: {  	[sflag:s10] =	ssyncset.done $0x0  }
0x1a0: {  	[sflag:s10] =	ssyncadd.s32 $0xFFFFE000  }
0x1a1: {  	_ =	sfence.sel $0x180000  }
0x1a2: {  	[bflag:$0x0] =	sbarrier.arrive $0xFFFF  }
0x1a3: {  	_ =	strace $0x90000047  }
0x1a4: {  	[bflag:$0x2] =	sbarrier.arrive $0xFFFF  }
0x1a5: {  	p0 =	sne.s32 s0, $0x0;
	s0 =	rddreg [dreg:$0x2]  }
0x1a6: {  	s0 =	sadd.s32 @!p0 $0x100000, s0  }
0x1a7: {  	[sflag:s0] =	ssyncadd.tile.s32 @!p0 $0x1;
	_ =	shalt  }
.Lfunc_end2:
_tile_overlayer_lowered:
.L_overlay_start_2:
0x1a8: {  	(tag) =	ssettag $0x2  }
0x1a9: {  	s0 =	rddreg [dreg:$0x0];
	s2 =	stileid.u32  }
0x1aa: {  	s1 =	rddreg [dreg:$0x1];
	p0 =	sne.s32 s2, $0x0  }
0x1ab: {  	s3 =	rddreg [dreg:$0x2];
	[bflag:$0x3] =	sbarrier.arrive $0xFFFF;
	s2 =	simm.s32 @!p0 $0x1C03  }
0x1ac: {  	[timem:s3], [sflag:s2] =	dma.local @!p0 [hbm:s0], s1  }
0x1ad: {  	s0 =	simm.s32 @!p0 $0x3  }
0x1ae: {  	_ =	swait.ge @!p0 [sflag:s0], s1  }
0x1af: {  	s1 =	ssub.s32 @!p0 $0x0, s1;
	[sflag:s0] =	ssyncset.done @!p0 $0x0  }
0x1b0: {  	[sflag:s0] =	ssyncadd.s32 @!p0 s1  }
0x1b1: {  	[bflag:$0x3] =	sbarrier.arrive $0xFFFF  }
0x1b2: {  	_ =	shalt  }

</sc_bundles>
